<compile_context>
chip_gen: v7x
topology: tpu7x:2x2x1
jax: 0.10.2.dev20260603
libtpu: 0.0.44.dev20260713+nightly
codegen_flags: <defaults>
</compile_context>

<pallas_src>
import jax
import jax.numpy as jnp
from jax import lax
from jax.experimental import pallas as pl
from jax.experimental.pallas import tpu as pltpu
from jax.experimental.pallas import tpu_sc as plsc

_S = 200
_D = 128
_ROWS_PER_WORKER = 8
_NUM_WORKERS = _S // _ROWS_PER_WORKER
_BB = 128
_K_PRE = 2


def _sc_combine_body(tt_hbm, st_hbm, lt_hbm, ti_hbm, si_hbm, li_hbm,
                     c_hbm, ti_v, si_v, li_v, rt_v, rs_v, rl_v, out_v,
                     sem):
    wid = lax.axis_index("s") * 2 + lax.axis_index("c")

    @pl.when(wid < _NUM_WORKERS)
    def _():
        base = wid * _ROWS_PER_WORKER
        rows = pl.ds(base, _ROWS_PER_WORKER)
        cp1 = pltpu.async_copy(ti_hbm.at[rows], ti_v, sem)
        cp2 = pltpu.async_copy(si_hbm.at[rows], si_v, sem)
        cp3 = pltpu.async_copy(li_hbm.at[rows], li_v, sem)
        cp1.wait(); cp2.wait(); cp3.wait()
        g1 = pltpu.async_copy(tt_hbm.at[ti_v], rt_v, sem)
        g2 = pltpu.async_copy(st_hbm.at[si_v], rs_v, sem)
        g3 = pltpu.async_copy(lt_hbm.at[li_v], rl_v, sem)
        g1.wait(); g2.wait(); g3.wait()
        for r in range(_ROWS_PER_WORKER):
            for k in range(_D // 16):
                sl = pl.ds(k * 16, 16)
                out_v[r, sl] = rt_v[r, sl] + rs_v[r, sl] + rl_v[r, sl]
        pltpu.sync_copy(out_v, c_hbm.at[rows])


def _make_sc_combine():
    return pl.kernel(
        _sc_combine_body,
        out_type=jax.ShapeDtypeStruct((_S, _D), jnp.float32),
        mesh=plsc.VectorSubcoreMesh(
            core_axis_name="c", subcore_axis_name="s",
            num_cores=2, num_subcores=16),
        scratch_types=[
            pltpu.VMEM((_ROWS_PER_WORKER,), jnp.int32),
            pltpu.VMEM((_ROWS_PER_WORKER,), jnp.int32),
            pltpu.VMEM((_ROWS_PER_WORKER,), jnp.int32),
            pltpu.VMEM((_ROWS_PER_WORKER, _D), jnp.float32),
            pltpu.VMEM((_ROWS_PER_WORKER, _D), jnp.float32),
            pltpu.VMEM((_ROWS_PER_WORKER, _D), jnp.float32),
            pltpu.VMEM((_ROWS_PER_WORKER, _D), jnp.float32),
            pltpu.SemaphoreType.DMA,
        ],
    )


def _tc_combine_body(ti_ref, si_ref, li_ref, tt_ref, st_ref, lt_ref, c_ref):
    S = ti_ref.shape[1]

    def emb(ids_ref, table_ref):
        n = table_ref.shape[0]
        iota = jax.lax.broadcasted_iota(jnp.int32, (n, S), 0)
        oh_t = (ids_ref[...] == iota).astype(jnp.float32)
        return jax.lax.dot_general(
            oh_t, table_ref[...],
            dimension_numbers=(((0,), (0,)), ((), ())),
            preferred_element_type=jnp.float32)

    c_ref[...] = emb(ti_ref, tt_ref) + emb(si_ref, st_ref) + emb(li_ref, lt_ref)


def _fuse_body(tvT_ref, w_ref, b_ref, c_ref, out_ref):
    S, BB = tvT_ref.shape
    tv = tvT_ref[...].T.reshape(BB, S, 1)
    w = w_ref[...][None, None, :]
    cb = (c_ref[...] + b_ref[...][None, :])[None]
    out_ref[...] = tv * w + cb


def _fuse_tail_body(dst_ref, tv_ref, w_ref, b_ref, c_ref, out_ref):
    del dst_ref
    _fuse_body(tv_ref, w_ref, b_ref, c_ref, out_ref)


def kernel(token_values, W_val, b_val, type_table, side_table, slot_table,
           token_type_ids, token_side_ids, token_slot_ids):
    B, S = token_values.shape
    D = W_val.shape[0]

    w_vec = W_val.reshape(D)
    tvT = token_values.T
    ti = token_type_ids.reshape(1, S)
    si = token_side_ids.reshape(1, S)
    li = token_slot_ids.reshape(1, S)

    c_sc = _make_sc_combine()(type_table, side_table, slot_table,
                              token_type_ids, token_side_ids,
                              token_slot_ids)

    c_tc = pl.pallas_call(
        _tc_combine_body,
        out_shape=jax.ShapeDtypeStruct((S, D), jnp.float32),
    )(ti, si, li, type_table, side_table, slot_table)

    fuse_specs = dict(
        out_shape=jax.ShapeDtypeStruct((B, S, D), jnp.float32),
        compiler_params=pltpu.CompilerParams(
            dimension_semantics=("parallel",)),
    )

    head = pl.pallas_call(
        _fuse_body,
        grid=(_K_PRE,),
        in_specs=[
            pl.BlockSpec((S, _BB), lambda i: (0, i)),
            pl.BlockSpec((D,), lambda i: (0,)),
            pl.BlockSpec((D,), lambda i: (0,)),
            pl.BlockSpec((S, D), lambda i: (0, 0)),
        ],
        out_specs=pl.BlockSpec((_BB, S, D), lambda i: (i, 0, 0)),
        **fuse_specs,
    )(tvT, w_vec, b_val, c_tc)

    out = pl.pallas_call(
        _fuse_tail_body,
        grid=(B // _BB - _K_PRE,),
        in_specs=[
            pl.BlockSpec(memory_space=pltpu.MemorySpace.HBM),
            pl.BlockSpec((S, _BB), lambda i: (0, i + _K_PRE)),
            pl.BlockSpec((D,), lambda i: (0,)),
            pl.BlockSpec((D,), lambda i: (0,)),
            pl.BlockSpec((S, D), lambda i: (0, 0)),
        ],
        out_specs=pl.BlockSpec((_BB, S, D), lambda i: (i + _K_PRE, 0, 0)),
        input_output_aliases={0: 0},
        **fuse_specs,
    )(head, tvT, w_vec, b_val, c_sc)

    return out

# --- scband reference (transcript-rebuilt; emitter-appended) ---
"""Pipeline reference for scband-match-token-embedding-38122129719517 (READ-ONLY COPY).

The authoritative reference and input builder live on the scoring server;
editing this copy changes nothing except your own understanding.
"""

import jax, jax.numpy as jnp
import numpy as np

NUM_TOKEN_TYPES = 8
NUM_TOKEN_SIDES = 4
NUM_TOKEN_SLOTS = 200
TOKEN_COUNT = 200
D_MODEL = 128
BATCH = 4096


def setup_inputs(seed: int = 0) -> dict:
    key = jax.random.key(seed)
    ks = jax.random.split(key, 9)
    token_values = jax.random.normal(ks[0], (BATCH, TOKEN_COUNT), dtype=jnp.float32)
    # nn.Linear(1, d_model): weight [d_model, 1], bias [d_model]
    W_val = jax.random.normal(ks[1], (D_MODEL, 1), dtype=jnp.float32) * 0.02
    b_val = jax.random.normal(ks[2], (D_MODEL,), dtype=jnp.float32) * 0.02
    type_table = jax.random.normal(ks[3], (NUM_TOKEN_TYPES, D_MODEL), dtype=jnp.float32) * 0.02
    side_table = jax.random.normal(ks[4], (NUM_TOKEN_SIDES, D_MODEL), dtype=jnp.float32) * 0.02
    slot_table = jax.random.normal(ks[5], (NUM_TOKEN_SLOTS, D_MODEL), dtype=jnp.float32) * 0.02
    # registered buffers (fixed per-position id patterns)
    token_type_ids = jax.random.randint(ks[6], (TOKEN_COUNT,), 0, NUM_TOKEN_TYPES, dtype=jnp.int32)
    token_side_ids = jax.random.randint(ks[7], (TOKEN_COUNT,), 0, NUM_TOKEN_SIDES, dtype=jnp.int32)
    token_slot_ids = jnp.arange(TOKEN_COUNT, dtype=jnp.int32) % NUM_TOKEN_SLOTS
    return {
        "token_values": token_values,
        "W_val": W_val,
        "b_val": b_val,
        "type_table": type_table,
        "side_table": side_table,
        "slot_table": slot_table,
        "token_type_ids": token_type_ids,
        "token_side_ids": token_side_ids,
        "token_slot_ids": token_slot_ids,
    }


def reference(token_values, W_val, b_val, type_table, side_table, slot_table,
              token_type_ids, token_side_ids, token_slot_ids):
    assert token_values.ndim == 2
    batch_size, seq_len = token_values.shape
    assert seq_len == TOKEN_COUNT
    # value_embedding = Linear(1, d_model)(token_values.unsqueeze(-1))
    x = token_values[..., None].astype(jnp.float32)  # [B, S, 1]
    value_embedding = jnp.einsum('bsi,di->bsd', x, W_val) + b_val  # [B, S, D]
    # expand fixed id buffers to [B, S]
    type_ids = jnp.broadcast_to(token_type_ids[None, :], (batch_size, seq_len))
    side_ids = jnp.broadcast_to(token_side_ids[None, :], (batch_size, seq_len))
    slot_ids = jnp.broadcast_to(token_slot_ids[None, :], (batch_size, seq_len))
    type_emb = jnp.take(type_table, type_ids, axis=0)
    side_emb = jnp.take(side_table, side_ids, axis=0)
    slot_emb = jnp.take(slot_table, slot_ids, axis=0)
    return value_embedding + type_emb + side_emb + slot_emb

if __name__ == "__main__":
    import jax
    _d = setup_inputs()
    print(jax.jit(kernel)(*tuple(_d.values())))

</pallas_src>

<mosaic_0001>
#map = affine_map<(d0, d1) -> (0, 0)>
#map1 = affine_map<(d0, d1) -> (0)>
module attributes {stable_mosaic.version = 14 : i64} {
  func.func @_sc_combine_body(%arg0: i32, %arg1: i32, %arg2: memref<8x128xf32, #tpu.memory_space<hbm>>, %arg3: memref<4x128xf32, #tpu.memory_space<hbm>>, %arg4: memref<200x128xf32, #tpu.memory_space<hbm>>, %arg5: memref<200xi32, #tpu.memory_space<hbm>>, %arg6: memref<200xi32, #tpu.memory_space<hbm>>, %arg7: memref<200xi32, #tpu.memory_space<hbm>>, %arg8: memref<200x128xf32, #tpu.memory_space<hbm>>, %arg9: memref<8xi32, #tpu.memory_space<vmem>>, %arg10: memref<8xi32, #tpu.memory_space<vmem>>, %arg11: memref<8xi32, #tpu.memory_space<vmem>>, %arg12: memref<8x128xf32, #tpu.memory_space<vmem>>, %arg13: memref<8x128xf32, #tpu.memory_space<vmem>>, %arg14: memref<8x128xf32, #tpu.memory_space<vmem>>, %arg15: memref<8x128xf32, #tpu.memory_space<vmem>>, %arg16: memref<!tpu.dma_semaphore, #tpu.memory_space<semaphore_mem>>) attributes {dimension_semantics = [#tpu.dimension_semantics<core_parallel>, #tpu.dimension_semantics<subcore_parallel>], iteration_bounds = array<i64: 2, 16>, scalar_prefetch = 0 : i64, scratch_operands = 8 : i64, tpu.core_type = #tpu.core_type<sc_vector_subcore>, window_params = [{transform_indices = #map}, {transform_indices = #map}, {transform_indices = #map}, {transform_indices = #map1}, {transform_indices = #map1}, {transform_indices = #map1}, {transform_indices = #map}]} {
    %mul3A = arith.constant 2 : i32
    %mul3A_0 = arith.muli %arg1, %mul3A : i32
    %add3A = arith.addi %mul3A_0, %arg0 : i32
    %lt3A = arith.constant 25 : i32
    %lt3A_1 = arith.cmpi slt, %add3A, %lt3A : i32
    %convert_element_type3A = arith.extui %lt3A_1 : i1 to i32
    %cond3A = arith.constant 0 : i32
    %cond3A_2 = arith.cmpi ne, %convert_element_type3A, %cond3A : i32
    scf.if %cond3A_2 {
      %mul3A_3 = arith.constant 8 : i32
      %mul3A_4 = arith.muli %add3A, %mul3A_3 : i32
      %dma_start3A = tpu.memref_slice %arg5[%mul3A_4] : memref<200xi32, #tpu.memory_space<hbm>> -> memref<8xi32, #tpu.memory_space<hbm>>
      %dma_start3A_5 = tpu.memref_slice %arg5[%mul3A_4] : memref<200xi32, #tpu.memory_space<hbm>> -> memref<8xi32, #tpu.memory_space<hbm>>
      tpu.enqueue_dma source(%dma_start3A_5 : memref<8xi32, #tpu.memory_space<hbm>>) target(%arg9 : memref<8xi32, #tpu.memory_space<vmem>>) target_semaphore(%arg16 : memref<!tpu.dma_semaphore, #tpu.memory_space<semaphore_mem>>)
      %dma_start3A_6 = tpu.memref_slice %arg6[%mul3A_4] : memref<200xi32, #tpu.memory_space<hbm>> -> memref<8xi32, #tpu.memory_space<hbm>>
      %dma_start3A_7 = tpu.memref_slice %arg6[%mul3A_4] : memref<200xi32, #tpu.memory_space<hbm>> -> memref<8xi32, #tpu.memory_space<hbm>>
      tpu.enqueue_dma source(%dma_start3A_7 : memref<8xi32, #tpu.memory_space<hbm>>) target(%arg10 : memref<8xi32, #tpu.memory_space<vmem>>) target_semaphore(%arg16 : memref<!tpu.dma_semaphore, #tpu.memory_space<semaphore_mem>>)
      %dma_start3A_8 = tpu.memref_slice %arg7[%mul3A_4] : memref<200xi32, #tpu.memory_space<hbm>> -> memref<8xi32, #tpu.memory_space<hbm>>
      %dma_start3A_9 = tpu.memref_slice %arg7[%mul3A_4] : memref<200xi32, #tpu.memory_space<hbm>> -> memref<8xi32, #tpu.memory_space<hbm>>
      tpu.enqueue_dma source(%dma_start3A_9 : memref<8xi32, #tpu.memory_space<hbm>>) target(%arg11 : memref<8xi32, #tpu.memory_space<vmem>>) target_semaphore(%arg16 : memref<!tpu.dma_semaphore, #tpu.memory_space<semaphore_mem>>)
      %dma_wait3A = tpu.memref_slice %arg5[%mul3A_4] : memref<200xi32, #tpu.memory_space<hbm>> -> memref<8xi32, #tpu.memory_space<hbm>>
      %dma_wait3A_10 = tpu.memref_slice %arg5[%mul3A_4] : memref<200xi32, #tpu.memory_space<hbm>> -> memref<8xi32, #tpu.memory_space<hbm>>
      tpu.wait_dma2 semaphore(%arg16 : memref<!tpu.dma_semaphore, #tpu.memory_space<semaphore_mem>>) src(%dma_wait3A_10 : memref<8xi32, #tpu.memory_space<hbm>>) dst(%arg9 : memref<8xi32, #tpu.memory_space<vmem>>)
      %dma_wait3A_11 = tpu.memref_slice %arg6[%mul3A_4] : memref<200xi32, #tpu.memory_space<hbm>> -> memref<8xi32, #tpu.memory_space<hbm>>
      %dma_wait3A_12 = tpu.memref_slice %arg6[%mul3A_4] : memref<200xi32, #tpu.memory_space<hbm>> -> memref<8xi32, #tpu.memory_space<hbm>>
      tpu.wait_dma2 semaphore(%arg16 : memref<!tpu.dma_semaphore, #tpu.memory_space<semaphore_mem>>) src(%dma_wait3A_12 : memref<8xi32, #tpu.memory_space<hbm>>) dst(%arg10 : memref<8xi32, #tpu.memory_space<vmem>>)
      %dma_wait3A_13 = tpu.memref_slice %arg7[%mul3A_4] : memref<200xi32, #tpu.memory_space<hbm>> -> memref<8xi32, #tpu.memory_space<hbm>>
      %dma_wait3A_14 = tpu.memref_slice %arg7[%mul3A_4] : memref<200xi32, #tpu.memory_space<hbm>> -> memref<8xi32, #tpu.memory_space<hbm>>
      tpu.wait_dma2 semaphore(%arg16 : memref<!tpu.dma_semaphore, #tpu.memory_space<semaphore_mem>>) src(%dma_wait3A_14 : memref<8xi32, #tpu.memory_space<hbm>>) dst(%arg11 : memref<8xi32, #tpu.memory_space<vmem>>)
      %dma_start3A_15 = arith.constant 0 : i32
      %dma_start3A_16 = arith.constant 0 : i32
      %dma_start3A_17 = tpu.memref_slice %arg2[%dma_start3A_15, %dma_start3A_16] : memref<8x128xf32, #tpu.memory_space<hbm>> -> memref<8x128xf32, #tpu.memory_space<hbm>>
      tpu.enqueue_indirect_dma source(%dma_start3A_17 : memref<8x128xf32, #tpu.memory_space<hbm>>) target(%arg12 : memref<8x128xf32, #tpu.memory_space<vmem>>) offsets(%arg9 : memref<8xi32, #tpu.memory_space<vmem>>) semaphore(%arg16 : memref<!tpu.dma_semaphore, #tpu.memory_space<semaphore_mem>>)
      %dma_start3A_18 = arith.constant 0 : i32
      %dma_start3A_19 = arith.constant 0 : i32
      %dma_start3A_20 = tpu.memref_slice %arg3[%dma_start3A_18, %dma_start3A_19] : memref<4x128xf32, #tpu.memory_space<hbm>> -> memref<4x128xf32, #tpu.memory_space<hbm>>
      tpu.enqueue_indirect_dma source(%dma_start3A_20 : memref<4x128xf32, #tpu.memory_space<hbm>>) target(%arg13 : memref<8x128xf32, #tpu.memory_space<vmem>>) offsets(%arg10 : memref<8xi32, #tpu.memory_space<vmem>>) semaphore(%arg16 : memref<!tpu.dma_semaphore, #tpu.memory_space<semaphore_mem>>)
      %dma_start3A_21 = arith.constant 0 : i32
      %dma_start3A_22 = arith.constant 0 : i32
      %dma_start3A_23 = tpu.memref_slice %arg4[%dma_start3A_21, %dma_start3A_22] : memref<200x128xf32, #tpu.memory_space<hbm>> -> memref<200x128xf32, #tpu.memory_space<hbm>>
      tpu.enqueue_indirect_dma source(%dma_start3A_23 : memref<200x128xf32, #tpu.memory_space<hbm>>) target(%arg14 : memref<8x128xf32, #tpu.memory_space<vmem>>) offsets(%arg11 : memref<8xi32, #tpu.memory_space<vmem>>) semaphore(%arg16 : memref<!tpu.dma_semaphore, #tpu.memory_space<semaphore_mem>>)
      %dma_wait3A_24 = arith.constant 0 : i32
      %dma_wait3A_25 = arith.constant 0 : i32
      %dma_wait3A_26 = tpu.memref_slice %arg2[%dma_wait3A_24, %dma_wait3A_25] : memref<8x128xf32, #tpu.memory_space<hbm>> -> memref<8x128xf32, #tpu.memory_space<hbm>>
      tpu.wait_indirect_dma semaphore(%arg16 : memref<!tpu.dma_semaphore, #tpu.memory_space<semaphore_mem>>) src(%dma_wait3A_26 : memref<8x128xf32, #tpu.memory_space<hbm>>) dst(%arg12 : memref<8x128xf32, #tpu.memory_space<vmem>>)
      %dma_wait3A_27 = arith.constant 0 : i32
      %dma_wait3A_28 = arith.constant 0 : i32
      %dma_wait3A_29 = tpu.memref_slice %arg3[%dma_wait3A_27, %dma_wait3A_28] : memref<4x128xf32, #tpu.memory_space<hbm>> -> memref<4x128xf32, #tpu.memory_space<hbm>>
      tpu.wait_indirect_dma semaphore(%arg16 : memref<!tpu.dma_semaphore, #tpu.memory_space<semaphore_mem>>) src(%dma_wait3A_29 : memref<4x128xf32, #tpu.memory_space<hbm>>) dst(%arg13 : memref<8x128xf32, #tpu.memory_space<vmem>>)
      %dma_wait3A_30 = arith.constant 0 : i32
      %dma_wait3A_31 = arith.constant 0 : i32
      %dma_wait3A_32 = tpu.memref_slice %arg4[%dma_wait3A_30, %dma_wait3A_31] : memref<200x128xf32, #tpu.memory_space<hbm>> -> memref<200x128xf32, #tpu.memory_space<hbm>>
      tpu.wait_indirect_dma semaphore(%arg16 : memref<!tpu.dma_semaphore, #tpu.memory_space<semaphore_mem>>) src(%dma_wait3A_32 : memref<200x128xf32, #tpu.memory_space<hbm>>) dst(%arg14 : memref<8x128xf32, #tpu.memory_space<vmem>>)
      %get3A = arith.constant 0 : i32
      %get3A_33 = arith.index_cast %get3A : i32 to index
      %get3A_34 = arith.constant 0 : index
      %get3A_35 = tpu.vector_load %arg12[%get3A_33, %get3A_34] {strides = array<i32>} : memref<8x128xf32, #tpu.memory_space<vmem>>, vector<1x16xf32>,
      %get3A_36 = vector.shape_cast %get3A_35 : vector<1x16xf32> to vector<16xf32>
      %get3A_37 = arith.constant 0 : i32
      %get3A_38 = arith.index_cast %get3A_37 : i32 to index
      %get3A_39 = arith.constant 0 : index
      %get3A_40 = tpu.vector_load %arg13[%get3A_38, %get3A_39] {strides = array<i32>} : memref<8x128xf32, #tpu.memory_space<vmem>>, vector<1x16xf32>,
      %get3A_41 = vector.shape_cast %get3A_40 : vector<1x16xf32> to vector<16xf32>
      %add3A_42 = arith.addf %get3A_36, %get3A_41 : vector<16xf32>
      %get3A_43 = arith.constant 0 : i32
      %get3A_44 = arith.index_cast %get3A_43 : i32 to index
      %get3A_45 = arith.constant 0 : index
      %get3A_46 = tpu.vector_load %arg14[%get3A_44, %get3A_45] {strides = array<i32>} : memref<8x128xf32, #tpu.memory_space<vmem>>, vector<1x16xf32>,
      %get3A_47 = vector.shape_cast %get3A_46 : vector<1x16xf32> to vector<16xf32>
      %add3A_48 = arith.addf %add3A_42, %get3A_47 : vector<16xf32>
      %swap3A = arith.constant 0 : i32
      %swap3A_49 = arith.index_cast %swap3A : i32 to index
      %swap3A_50 = arith.constant 0 : index
      %swap3A_51 = tpu.vector_load %arg15[%swap3A_49, %swap3A_50] {strides = array<i32>} : memref<8x128xf32, #tpu.memory_space<vmem>>, vector<1x16xf32>,
      %swap3A_52 = vector.shape_cast %swap3A_51 : vector<1x16xf32> to vector<16xf32>
      %swap3A_53 = vector.shape_cast %add3A_48 : vector<16xf32> to vector<1x16xf32>
      tpu.vector_store %arg15[%swap3A_49, %swap3A_50], %swap3A_53 {strides = array<i32>} : memref<8x128xf32, #tpu.memory_space<vmem>>, vector<1x16xf32>,
      %get3A_54 = arith.constant 0 : i32
      %get3A_55 = arith.index_cast %get3A_54 : i32 to index
      %get3A_56 = arith.constant 16 : index
      %get3A_57 = tpu.vector_load %arg12[%get3A_55, %get3A_56] {strides = array<i32>} : memref<8x128xf32, #tpu.memory_space<vmem>>, vector<1x16xf32>,
      %get3A_58 = vector.shape_cast %get3A_57 : vector<1x16xf32> to vector<16xf32>
      %get3A_59 = arith.constant 0 : i32
      %get3A_60 = arith.index_cast %get3A_59 : i32 to index
      %get3A_61 = arith.constant 16 : index
      %get3A_62 = tpu.vector_load %arg13[%get3A_60, %get3A_61] {strides = array<i32>} : memref<8x128xf32, #tpu.memory_space<vmem>>, vector<1x16xf32>,
      %get3A_63 = vector.shape_cast %get3A_62 : vector<1x16xf32> to vector<16xf32>
      %add3A_64 = arith.addf %get3A_58, %get3A_63 : vector<16xf32>
      %get3A_65 = arith.constant 0 : i32
      %get3A_66 = arith.index_cast %get3A_65 : i32 to index
      %get3A_67 = arith.constant 16 : index
      %get3A_68 = tpu.vector_load %arg14[%get3A_66, %get3A_67] {strides = array<i32>} : memref<8x128xf32, #tpu.memory_space<vmem>>, vector<1x16xf32>,
      %get3A_69 = vector.shape_cast %get3A_68 : vector<1x16xf32> to vector<16xf32>
      %add3A_70 = arith.addf %add3A_64, %get3A_69 : vector<16xf32>
      %swap3A_71 = arith.constant 0 : i32
      %swap3A_72 = arith.index_cast %swap3A_71 : i32 to index
      %swap3A_73 = arith.constant 16 : index
      %swap3A_74 = tpu.vector_load %arg15[%swap3A_72, %swap3A_73] {strides = array<i32>} : memref<8x128xf32, #tpu.memory_space<vmem>>, vector<1x16xf32>,
      %swap3A_75 = vector.shape_cast %swap3A_74 : vector<1x16xf32> to vector<16xf32>
      %swap3A_76 = vector.shape_cast %add3A_70 : vector<16xf32> to vector<1x16xf32>
      tpu.vector_store %arg15[%swap3A_72, %swap3A_73], %swap3A_76 {strides = array<i32>} : memref<8x128xf32, #tpu.memory_space<vmem>>, vector<1x16xf32>,
      %get3A_77 = arith.constant 0 : i32
      %get3A_78 = arith.index_cast %get3A_77 : i32 to index
      %get3A_79 = arith.constant 32 : index
      %get3A_80 = tpu.vector_load %arg12[%get3A_78, %get3A_79] {strides = array<i32>} : memref<8x128xf32, #tpu.memory_space<vmem>>, vector<1x16xf32>,
      %get3A_81 = vector.shape_cast %get3A_80 : vector<1x16xf32> to vector<16xf32>
      %get3A_82 = arith.constant 0 : i32
      %get3A_83 = arith.index_cast %get3A_82 : i32 to index
      %get3A_84 = arith.constant 32 : index
      %get3A_85 = tpu.vector_load %arg13[%get3A_83, %get3A_84] {strides = array<i32>} : memref<8x128xf32, #tpu.memory_space<vmem>>, vector<1x16xf32>,
      %get3A_86 = vector.shape_cast %get3A_85 : vector<1x16xf32> to vector<16xf32>
      %add3A_87 = arith.addf %get3A_81, %get3A_86 : vector<16xf32>
      %get3A_88 = arith.constant 0 : i32
      %get3A_89 = arith.index_cast %get3A_88 : i32 to index
      %get3A_90 = arith.constant 32 : index
      %get3A_91 = tpu.vector_load %arg14[%get3A_89, %get3A_90] {strides = array<i32>} : memref<8x128xf32, #tpu.memory_space<vmem>>, vector<1x16xf32>,
      %get3A_92 = vector.shape_cast %get3A_91 : vector<1x16xf32> to vector<16xf32>
      %add3A_93 = arith.addf %add3A_87, %get3A_92 : vector<16xf32>
      %swap3A_94 = arith.constant 0 : i32
      %swap3A_95 = arith.index_cast %swap3A_94 : i32 to index
      %swap3A_96 = arith.constant 32 : index
      %swap3A_97 = tpu.vector_load %arg15[%swap3A_95, %swap3A_96] {strides = array<i32>} : memref<8x128xf32, #tpu.memory_space<vmem>>, vector<1x16xf32>,
      %swap3A_98 = vector.shape_cast %swap3A_97 : vector<1x16xf32> to vector<16xf32>
      %swap3A_99 = vector.shape_cast %add3A_93 : vector<16xf32> to vector<1x16xf32>
      tpu.vector_store %arg15[%swap3A_95, %swap3A_96], %swap3A_99 {strides = array<i32>} : memref<8x128xf32, #tpu.memory_space<vmem>>, vector<1x16xf32>,
      %get3A_100 = arith.constant 0 : i32
      %get3A_101 = arith.index_cast %get3A_100 : i32 to index
      %get3A_102 = arith.constant 48 : index
      %get3A_103 = tpu.vector_load %arg12[%get3A_101, %get3A_102] {strides = array<i32>} : memref<8x128xf32, #tpu.memory_space<vmem>>, vector<1x16xf32>,
      %get3A_104 = vector.shape_cast %get3A_103 : vector<1x16xf32> to vector<16xf32>
      %get3A_105 = arith.constant 0 : i32
      %get3A_106 = arith.index_cast %get3A_105 : i32 to index
      %get3A_107 = arith.constant 48 : index
      %get3A_108 = tpu.vector_load %arg13[%get3A_106, %get3A_107] {strides = array<i32>} : memref<8x128xf32, #tpu.memory_space<vmem>>, vector<1x16xf32>,
      %get3A_109 = vector.shape_cast %get3A_108 : vector<1x16xf32> to vector<16xf32>
      %add3A_110 = arith.addf %get3A_104, %get3A_109 : vector<16xf32>
      %get3A_111 = arith.constant 0 : i32
      %get3A_112 = arith.index_cast %get3A_111 : i32 to index
      %get3A_113 = arith.constant 48 : index
      %get3A_114 = tpu.vector_load %arg14[%get3A_112, %get3A_113] {strides = array<i32>} : memref<8x128xf32, #tpu.memory_space<vmem>>, vector<1x16xf32>,
      %get3A_115 = vector.shape_cast %get3A_114 : vector<1x16xf32> to vector<16xf32>
      %add3A_116 = arith.addf %add3A_110, %get3A_115 : vector<16xf32>
      %swap3A_117 = arith.constant 0 : i32
      %swap3A_118 = arith.index_cast %swap3A_117 : i32 to index
      %swap3A_119 = arith.constant 48 : index
      %swap3A_120 = tpu.vector_load %arg15[%swap3A_118, %swap3A_119] {strides = array<i32>} : memref<8x128xf32, #tpu.memory_space<vmem>>, vector<1x16xf32>,
      %swap3A_121 = vector.shape_cast %swap3A_120 : vector<1x16xf32> to vector<16xf32>
      %swap3A_122 = vector.shape_cast %add3A_116 : vector<16xf32> to vector<1x16xf32>
      tpu.vector_store %arg15[%swap3A_118, %swap3A_119], %swap3A_122 {strides = array<i32>} : memref<8x128xf32, #tpu.memory_space<vmem>>, vector<1x16xf32>,
      %get3A_123 = arith.constant 0 : i32
      %get3A_124 = arith.index_cast %get3A_123 : i32 to index
      %get3A_125 = arith.constant 64 : index
      %get3A_126 = tpu.vector_load %arg12[%get3A_124, %get3A_125] {strides = array<i32>} : memref<8x128xf32, #tpu.memory_space<vmem>>, vector<1x16xf32>,
      %get3A_127 = vector.shape_cast %get3A_126 : vector<1x16xf32> to vector<16xf32>
      %get3A_128 = arith.constant 0 : i32
      %get3A_129 = arith.index_cast %get3A_128 : i32 to index
      %get3A_130 = arith.constant 64 : index
      %get3A_131 = tpu.vector_load %arg13[%get3A_129, %get3A_130] {strides = array<i32>} : memref<8x128xf32, #tpu.memory_space<vmem>>, vector<1x16xf32>,
      %get3A_132 = vector.shape_cast %get3A_131 : vector<1x16xf32> to vector<16xf32>
      %add3A_133 = arith.addf %get3A_127, %get3A_132 : vector<16xf32>
      %get3A_134 = arith.constant 0 : i32
      %get3A_135 = arith.index_cast %get3A_134 : i32 to index
      %get3A_136 = arith.constant 64 : index
      %get3A_137 = tpu.vector_load %arg14[%get3A_135, %get3A_136] {strides = array<i32>} : memref<8x128xf32, #tpu.memory_space<vmem>>, vector<1x16xf32>,
      %get3A_138 = vector.shape_cast %get3A_137 : vector<1x16xf32> to vector<16xf32>
      %add3A_139 = arith.addf %add3A_133, %get3A_138 : vector<16xf32>
      %swap3A_140 = arith.constant 0 : i32
      %swap3A_141 = arith.index_cast %swap3A_140 : i32 to index
      %swap3A_142 = arith.constant 64 : index
      %swap3A_143 = tpu.vector_load %arg15[%swap3A_141, %swap3A_142] {strides = array<i32>} : memref<8x128xf32, #tpu.memory_space<vmem>>, vector<1x16xf32>,
      %swap3A_144 = vector.shape_cast %swap3A_143 : vector<1x16xf32> to vector<16xf32>
      %swap3A_145 = vector.shape_cast %add3A_139 : vector<16xf32> to vector<1x16xf32>
      tpu.vector_store %arg15[%swap3A_141, %swap3A_142], %swap3A_145 {strides = array<i32>} : memref<8x128xf32, #tpu.memory_space<vmem>>, vector<1x16xf32>,
      %get3A_146 = arith.constant 0 : i32
      %get3A_147 = arith.index_cast %get3A_146 : i32 to index
      %get3A_148 = arith.constant 80 : index
      %get3A_149 = tpu.vector_load %arg12[%get3A_147, %get3A_148] {strides = array<i32>} : memref<8x128xf32, #tpu.memory_space<vmem>>, vector<1x16xf32>,
      %get3A_150 = vector.shape_cast %get3A_149 : vector<1x16xf32> to vector<16xf32>
      %get3A_151 = arith.constant 0 : i32
      %get3A_152 = arith.index_cast %get3A_151 : i32 to index
      %get3A_153 = arith.constant 80 : index
      %get3A_154 = tpu.vector_load %arg13[%get3A_152, %get3A_153] {strides = array<i32>} : memref<8x128xf32, #tpu.memory_space<vmem>>, vector<1x16xf32>,
      %get3A_155 = vector.shape_cast %get3A_154 : vector<1x16xf32> to vector<16xf32>
      %add3A_156 = arith.addf %get3A_150, %get3A_155 : vector<16xf32>
      %get3A_157 = arith.constant 0 : i32
      %get3A_158 = arith.index_cast %get3A_157 : i32 to index
      %get3A_159 = arith.constant 80 : index
      %get3A_160 = tpu.vector_load %arg14[%get3A_158, %get3A_159] {strides = array<i32>} : memref<8x128xf32, #tpu.memory_space<vmem>>, vector<1x16xf32>,
      %get3A_161 = vector.shape_cast %get3A_160 : vector<1x16xf32> to vector<16xf32>
      %add3A_162 = arith.addf %add3A_156, %get3A_161 : vector<16xf32>
      %swap3A_163 = arith.constant 0 : i32
      %swap3A_164 = arith.index_cast %swap3A_163 : i32 to index
      %swap3A_165 = arith.constant 80 : index
      %swap3A_166 = tpu.vector_load %arg15[%swap3A_164, %swap3A_165] {strides = array<i32>} : memref<8x128xf32, #tpu.memory_space<vmem>>, vector<1x16xf32>,
      %swap3A_167 = vector.shape_cast %swap3A_166 : vector<1x16xf32> to vector<16xf32>
      %swap3A_168 = vector.shape_cast %add3A_162 : vector<16xf32> to vector<1x16xf32>
      tpu.vector_store %arg15[%swap3A_164, %swap3A_165], %swap3A_168 {strides = array<i32>} : memref<8x128xf32, #tpu.memory_space<vmem>>, vector<1x16xf32>,
      %get3A_169 = arith.constant 0 : i32
      %get3A_170 = arith.index_cast %get3A_169 : i32 to index
      %get3A_171 = arith.constant 96 : index
      %get3A_172 = tpu.vector_load %arg12[%get3A_170, %get3A_171] {strides = array<i32>} : memref<8x128xf32, #tpu.memory_space<vmem>>, vector<1x16xf32>,
      %get3A_173 = vector.shape_cast %get3A_172 : vector<1x16xf32> to vector<16xf32>
      %get3A_174 = arith.constant 0 : i32
      %get3A_175 = arith.index_cast %get3A_174 : i32 to index
      %get3A_176 = arith.constant 96 : index
      %get3A_177 = tpu.vector_load %arg13[%get3A_175, %get3A_176] {strides = array<i32>} : memref<8x128xf32, #tpu.memory_space<vmem>>, vector<1x16xf32>,
      %get3A_178 = vector.shape_cast %get3A_177 : vector<1x16xf32> to vector<16xf32>
      %add3A_179 = arith.addf %get3A_173, %get3A_178 : vector<16xf32>
      %get3A_180 = arith.constant 0 : i32
      %get3A_181 = arith.index_cast %get3A_180 : i32 to index
      %get3A_182 = arith.constant 96 : index
      %get3A_183 = tpu.vector_load %arg14[%get3A_181, %get3A_182] {strides = array<i32>} : memref<8x128xf32, #tpu.memory_space<vmem>>, vector<1x16xf32>,
      %get3A_184 = vector.shape_cast %get3A_183 : vector<1x16xf32> to vector<16xf32>
      %add3A_185 = arith.addf %add3A_179, %get3A_184 : vector<16xf32>
      %swap3A_186 = arith.constant 0 : i32
      %swap3A_187 = arith.index_cast %swap3A_186 : i32 to index
      %swap3A_188 = arith.constant 96 : index
      %swap3A_189 = tpu.vector_load %arg15[%swap3A_187, %swap3A_188] {strides = array<i32>} : memref<8x128xf32, #tpu.memory_space<vmem>>, vector<1x16xf32>,
      %swap3A_190 = vector.shape_cast %swap3A_189 : vector<1x16xf32> to vector<16xf32>
      %swap3A_191 = vector.shape_cast %add3A_185 : vector<16xf32> to vector<1x16xf32>
      tpu.vector_store %arg15[%swap3A_187, %swap3A_188], %swap3A_191 {strides = array<i32>} : memref<8x128xf32, #tpu.memory_space<vmem>>, vector<1x16xf32>,
      %get3A_192 = arith.constant 0 : i32
      %get3A_193 = arith.index_cast %get3A_192 : i32 to index
      %get3A_194 = arith.constant 112 : index
      %get3A_195 = tpu.vector_load %arg12[%get3A_193, %get3A_194] {strides = array<i32>} : memref<8x128xf32, #tpu.memory_space<vmem>>, vector<1x16xf32>,
      %get3A_196 = vector.shape_cast %get3A_195 : vector<1x16xf32> to vector<16xf32>
      %get3A_197 = arith.constant 0 : i32
      %get3A_198 = arith.index_cast %get3A_197 : i32 to index
      %get3A_199 = arith.constant 112 : index
      %get3A_200 = tpu.vector_load %arg13[%get3A_198, %get3A_199] {strides = array<i32>} : memref<8x128xf32, #tpu.memory_space<vmem>>, vector<1x16xf32>,
      %get3A_201 = vector.shape_cast %get3A_200 : vector<1x16xf32> to vector<16xf32>
      %add3A_202 = arith.addf %get3A_196, %get3A_201 : vector<16xf32>
      %get3A_203 = arith.constant 0 : i32
      %get3A_204 = arith.index_cast %get3A_203 : i32 to index
      %get3A_205 = arith.constant 112 : index
      %get3A_206 = tpu.vector_load %arg14[%get3A_204, %get3A_205] {strides = array<i32>} : memref<8x128xf32, #tpu.memory_space<vmem>>, vector<1x16xf32>,
      %get3A_207 = vector.shape_cast %get3A_206 : vector<1x16xf32> to vector<16xf32>
      %add3A_208 = arith.addf %add3A_202, %get3A_207 : vector<16xf32>
      %swap3A_209 = arith.constant 0 : i32
      %swap3A_210 = arith.index_cast %swap3A_209 : i32 to index
      %swap3A_211 = arith.constant 112 : index
      %swap3A_212 = tpu.vector_load %arg15[%swap3A_210, %swap3A_211] {strides = array<i32>} : memref<8x128xf32, #tpu.memory_space<vmem>>, vector<1x16xf32>,
      %swap3A_213 = vector.shape_cast %swap3A_212 : vector<1x16xf32> to vector<16xf32>
      %swap3A_214 = vector.shape_cast %add3A_208 : vector<16xf32> to vector<1x16xf32>
      tpu.vector_store %arg15[%swap3A_210, %swap3A_211], %swap3A_214 {strides = array<i32>} : memref<8x128xf32, #tpu.memory_space<vmem>>, vector<1x16xf32>,
      %get3A_215 = arith.constant 1 : i32
      %get3A_216 = arith.index_cast %get3A_215 : i32 to index
      %get3A_217 = arith.constant 0 : index
      %get3A_218 = tpu.vector_load %arg12[%get3A_216, %get3A_217] {strides = array<i32>} : memref<8x128xf32, #tpu.memory_space<vmem>>, vector<1x16xf32>,
      %get3A_219 = vector.shape_cast %get3A_218 : vector<1x16xf32> to vector<16xf32>
      %get3A_220 = arith.constant 1 : i32
      %get3A_221 = arith.index_cast %get3A_220 : i32 to index
      %get3A_222 = arith.constant 0 : index
      %get3A_223 = tpu.vector_load %arg13[%get3A_221, %get3A_222] {strides = array<i32>} : memref<8x128xf32, #tpu.memory_space<vmem>>, vector<1x16xf32>,
      %get3A_224 = vector.shape_cast %get3A_223 : vector<1x16xf32> to vector<16xf32>
      %add3A_225 = arith.addf %get3A_219, %get3A_224 : vector<16xf32>
      %get3A_226 = arith.constant 1 : i32
      %get3A_227 = arith.index_cast %get3A_226 : i32 to index
      %get3A_228 = arith.constant 0 : index
      %get3A_229 = tpu.vector_load %arg14[%get3A_227, %get3A_228] {strides = array<i32>} : memref<8x128xf32, #tpu.memory_space<vmem>>, vector<1x16xf32>,
      %get3A_230 = vector.shape_cast %get3A_229 : vector<1x16xf32> to vector<16xf32>
      %add3A_231 = arith.addf %add3A_225, %get3A_230 : vector<16xf32>
      %swap3A_232 = arith.constant 1 : i32
      %swap3A_233 = arith.index_cast %swap3A_232 : i32 to index
      %swap3A_234 = arith.constant 0 : index
      %swap3A_235 = tpu.vector_load %arg15[%swap3A_233, %swap3A_234] {strides = array<i32>} : memref<8x128xf32, #tpu.memory_space<vmem>>, vector<1x16xf32>,
      %swap3A_236 = vector.shape_cast %swap3A_235 : vector<1x16xf32> to vector<16xf32>
      %swap3A_237 = vector.shape_cast %add3A_231 : vector<16xf32> to vector<1x16xf32>
      tpu.vector_store %arg15[%swap3A_233, %swap3A_234], %swap3A_237 {strides = array<i32>} : memref<8x128xf32, #tpu.memory_space<vmem>>, vector<1x16xf32>,
      %get3A_238 = arith.constant 1 : i32
      %get3A_239 = arith.index_cast %get3A_238 : i32 to index
      %get3A_240 = arith.constant 16 : index
      %get3A_241 = tpu.vector_load %arg12[%get3A_239, %get3A_240] {strides = array<i32>} : memref<8x128xf32, #tpu.memory_space<vmem>>, vector<1x16xf32>,
      %get3A_242 = vector.shape_cast %get3A_241 : vector<1x16xf32> to vector<16xf32>
      %get3A_243 = arith.constant 1 : i32
      %get3A_244 = arith.index_cast %get3A_243 : i32 to index
      %get3A_245 = arith.constant 16 : index
      %get3A_246 = tpu.vector_load %arg13[%get3A_244, %get3A_245] {strides = array<i32>} : memref<8x128xf32, #tpu.memory_space<vmem>>, vector<1x16xf32>,
      %get3A_247 = vector.shape_cast %get3A_246 : vector<1x16xf32> to vector<16xf32>
      %add3A_248 = arith.addf %get3A_242, %get3A_247 : vector<16xf32>
      %get3A_249 = arith.constant 1 : i32
      %get3A_250 = arith.index_cast %get3A_249 : i32 to index
      %get3A_251 = arith.constant 16 : index
      %get3A_252 = tpu.vector_load %arg14[%get3A_250, %get3A_251] {strides = array<i32>} : memref<8x128xf32, #tpu.memory_space<vmem>>, vector<1x16xf32>,
      %get3A_253 = vector.shape_cast %get3A_252 : vector<1x16xf32> to vector<16xf32>
      %add3A_254 = arith.addf %add3A_248, %get3A_253 : vector<16xf32>
      %swap3A_255 = arith.constant 1 : i32
      %swap3A_256 = arith.index_cast %swap3A_255 : i32 to index
      %swap3A_257 = arith.constant 16 : index
      %swap3A_258 = tpu.vector_load %arg15[%swap3A_256, %swap3A_257] {strides = array<i32>} : memref<8x128xf32, #tpu.memory_space<vmem>>, vector<1x16xf32>,
      %swap3A_259 = vector.shape_cast %swap3A_258 : vector<1x16xf32> to vector<16xf32>
      %swap3A_260 = vector.shape_cast %add3A_254 : vector<16xf32> to vector<1x16xf32>
      tpu.vector_store %arg15[%swap3A_256, %swap3A_257], %swap3A_260 {strides = array<i32>} : memref<8x128xf32, #tpu.memory_space<vmem>>, vector<1x16xf32>,
      %get3A_261 = arith.constant 1 : i32
      %get3A_262 = arith.index_cast %get3A_261 : i32 to index
      %get3A_263 = arith.constant 32 : index
      %get3A_264 = tpu.vector_load %arg12[%get3A_262, %get3A_263] {strides = array<i32>} : memref<8x128xf32, #tpu.memory_space<vmem>>, vector<1x16xf32>,
      %get3A_265 = vector.shape_cast %get3A_264 : vector<1x16xf32> to vector<16xf32>
      %get3A_266 = arith.constant 1 : i32
      %get3A_267 = arith.index_cast %get3A_266 : i32 to index
      %get3A_268 = arith.constant 32 : index
      %get3A_269 = tpu.vector_load %arg13[%get3A_267, %get3A_268] {strides = array<i32>} : memref<8x128xf32, #tpu.memory_space<vmem>>, vector<1x16xf32>,
      %get3A_270 = vector.shape_cast %get3A_269 : vector<1x16xf32> to vector<16xf32>
      %add3A_271 = arith.addf %get3A_265, %get3A_270 : vector<16xf32>
      %get3A_272 = arith.constant 1 : i32
      %get3A_273 = arith.index_cast %get3A_272 : i32 to index
      %get3A_274 = arith.constant 32 : index
      %get3A_275 = tpu.vector_load %arg14[%get3A_273, %get3A_274] {strides = array<i32>} : memref<8x128xf32, #tpu.memory_space<vmem>>, vector<1x16xf32>,
      %get3A_276 = vector.shape_cast %get3A_275 : vector<1x16xf32> to vector<16xf32>
      %add3A_277 = arith.addf %add3A_271, %get3A_276 : vector<16xf32>
      %swap3A_278 = arith.constant 1 : i32
      %swap3A_279 = arith.index_cast %swap3A_278 : i32 to index
      %swap3A_280 = arith.constant 32 : index
      %swap3A_281 = tpu.vector_load %arg15[%swap3A_279, %swap3A_280] {strides = array<i32>} : memref<8x128xf32, #tpu.memory_space<vmem>>, vector<1x16xf32>,
      %swap3A_282 = vector.shape_cast %swap3A_281 : vector<1x16xf32> to vector<16xf32>
      %swap3A_283 = vector.shape_cast %add3A_277 : vector<16xf32> to vector<1x16xf32>
      tpu.vector_store %arg15[%swap3A_279, %swap3A_280], %swap3A_283 {strides = array<i32>} : memref<8x128xf32, #tpu.memory_space<vmem>>, vector<1x16xf32>,
      %get3A_284 = arith.constant 1 : i32
      %get3A_285 = arith.index_cast %get3A_284 : i32 to index
      %get3A_286 = arith.constant 48 : index
      %get3A_287 = tpu.vector_load %arg12[%get3A_285, %get3A_286] {strides = array<i32>} : memref<8x128xf32, #tpu.memory_space<vmem>>, vector<1x16xf32>,
      %get3A_288 = vector.shape_cast %get3A_287 : vector<1x16xf32> to vector<16xf32>
      %get3A_289 = arith.constant 1 : i32
      %get3A_290 = arith.index_cast %get3A_289 : i32 to index
      %get3A_291 = arith.constant 48 : index
      %get3A_292 = tpu.vector_load %arg13[%get3A_290, %get3A_291] {strides = array<i32>} : memref<8x128xf32, #tpu.memory_space<vmem>>, vector<1x16xf32>,
      %get3A_293 = vector.shape_cast %get3A_292 : vector<1x16xf32> to vector<16xf32>
      %add3A_294 = arith.addf %get3A_288, %get3A_293 : vector<16xf32>
      %get3A_295 = arith.constant 1 : i32
      %get3A_296 = arith.index_cast %get3A_295 : i32 to index
      %get3A_297 = arith.constant 48 : index
      %get3A_298 = tpu.vector_load %arg14[%get3A_296, %get3A_297] {strides = array<i32>} : memref<8x128xf32, #tpu.memory_space<vmem>>, vector<1x16xf32>,
      %get3A_299 = vector.shape_cast %get3A_298 : vector<1x16xf32> to vector<16xf32>
      %add3A_300 = arith.addf %add3A_294, %get3A_299 : vector<16xf32>
      %swap3A_301 = arith.constant 1 : i32
      %swap3A_302 = arith.index_cast %swap3A_301 : i32 to index
      %swap3A_303 = arith.constant 48 : index
      %swap3A_304 = tpu.vector_load %arg15[%swap3A_302, %swap3A_303] {strides = array<i32>} : memref<8x128xf32, #tpu.memory_space<vmem>>, vector<1x16xf32>,
      %swap3A_305 = vector.shape_cast %swap3A_304 : vector<1x16xf32> to vector<16xf32>
      %swap3A_306 = vector.shape_cast %add3A_300 : vector<16xf32> to vector<1x16xf32>
      tpu.vector_store %arg15[%swap3A_302, %swap3A_303], %swap3A_306 {strides = array<i32>} : memref<8x128xf32, #tpu.memory_space<vmem>>, vector<1x16xf32>,
      %get3A_307 = arith.constant 1 : i32
      %get3A_308 = arith.index_cast %get3A_307 : i32 to index
      %get3A_309 = arith.constant 64 : index
      %get3A_310 = tpu.vector_load %arg12[%get3A_308, %get3A_309] {strides = array<i32>} : memref<8x128xf32, #tpu.memory_space<vmem>>, vector<1x16xf32>,
      %get3A_311 = vector.shape_cast %get3A_310 : vector<1x16xf32> to vector<16xf32>
      %get3A_312 = arith.constant 1 : i32
      %get3A_313 = arith.index_cast %get3A_312 : i32 to index
      %get3A_314 = arith.constant 64 : index
      %get3A_315 = tpu.vector_load %arg13[%get3A_313, %get3A_314] {strides = array<i32>} : memref<8x128xf32, #tpu.memory_space<vmem>>, vector<1x16xf32>,
      %get3A_316 = vector.shape_cast %get3A_315 : vector<1x16xf32> to vector<16xf32>
      %add3A_317 = arith.addf %get3A_311, %get3A_316 : vector<16xf32>
      %get3A_318 = arith.constant 1 : i32
      %get3A_319 = arith.index_cast %get3A_318 : i32 to index
      %get3A_320 = arith.constant 64 : index
      %get3A_321 = tpu.vector_load %arg14[%get3A_319, %get3A_320] {strides = array<i32>} : memref<8x128xf32, #tpu.memory_space<vmem>>, vector<1x16xf32>,
      %get3A_322 = vector.shape_cast %get3A_321 : vector<1x16xf32> to vector<16xf32>
      %add3A_323 = arith.addf %add3A_317, %get3A_322 : vector<16xf32>
      %swap3A_324 = arith.constant 1 : i32
      %swap3A_325 = arith.index_cast %swap3A_324 : i32 to index
      %swap3A_326 = arith.constant 64 : index
      %swap3A_327 = tpu.vector_load %arg15[%swap3A_325, %swap3A_326] {strides = array<i32>} : memref<8x128xf32, #tpu.memory_space<vmem>>, vector<1x16xf32>,
      %swap3A_328 = vector.shape_cast %swap3A_327 : vector<1x16xf32> to vector<16xf32>
      %swap3A_329 = vector.shape_cast %add3A_323 : vector<16xf32> to vector<1x16xf32>
      tpu.vector_store %arg15[%swap3A_325, %swap3A_326], %swap3A_329 {strides = array<i32>} : memref<8x128xf32, #tpu.memory_space<vmem>>, vector<1x16xf32>,
      %get3A_330 = arith.constant 1 : i32
      %get3A_331 = arith.index_cast %get3A_330 : i32 to index
      %get3A_332 = arith.constant 80 : index
      %get3A_333 = tpu.vector_load %arg12[%get3A_331, %get3A_332] {strides = array<i32>} : memref<8x128xf32, #tpu.memory_space<vmem>>, vector<1x16xf32>,
      %get3A_334 = vector.shape_cast %get3A_333 : vector<1x16xf32> to vector<16xf32>
      %get3A_335 = arith.constant 1 : i32
      %get3A_336 = arith.index_cast %get3A_335 : i32 to index
      %get3A_337 = arith.constant 80 : index
      %get3A_338 = tpu.vector_load %arg13[%get3A_336, %get3A_337] {strides = array<i32>} : memref<8x128xf32, #tpu.memory_space<vmem>>, vector<1x16xf32>,
      %get3A_339 = vector.shape_cast %get3A_338 : vector<1x16xf32> to vector<16xf32>
      %add3A_340 = arith.addf %get3A_334, %get3A_339 : vector<16xf32>
      %get3A_341 = arith.constant 1 : i32
      %get3A_342 = arith.index_cast %get3A_341 : i32 to index
      %get3A_343 = arith.constant 80 : index
      %get3A_344 = tpu.vector_load %arg14[%get3A_342, %get3A_343] {strides = array<i32>} : memref<8x128xf32, #tpu.memory_space<vmem>>, vector<1x16xf32>,
      %get3A_345 = vector.shape_cast %get3A_344 : vector<1x16xf32> to vector<16xf32>
      %add3A_346 = arith.addf %add3A_340, %get3A_345 : vector<16xf32>
      %swap3A_347 = arith.constant 1 : i32
      %swap3A_348 = arith.index_cast %swap3A_347 : i32 to index
      %swap3A_349 = arith.constant 80 : index
      %swap3A_350 = tpu.vector_load %arg15[%swap3A_348, %swap3A_349] {strides = array<i32>} : memref<8x128xf32, #tpu.memory_space<vmem>>, vector<1x16xf32>,
      %swap3A_351 = vector.shape_cast %swap3A_350 : vector<1x16xf32> to vector<16xf32>
      %swap3A_352 = vector.shape_cast %add3A_346 : vector<16xf32> to vector<1x16xf32>
      tpu.vector_store %arg15[%swap3A_348, %swap3A_349], %swap3A_352 {strides = array<i32>} : memref<8x128xf32, #tpu.memory_space<vmem>>, vector<1x16xf32>,
      %get3A_353 = arith.constant 1 : i32
      %get3A_354 = arith.index_cast %get3A_353 : i32 to index
      %get3A_355 = arith.constant 96 : index
      %get3A_356 = tpu.vector_load %arg12[%get3A_354, %get3A_355] {strides = array<i32>} : memref<8x128xf32, #tpu.memory_space<vmem>>, vector<1x16xf32>,
      %get3A_357 = vector.shape_cast %get3A_356 : vector<1x16xf32> to vector<16xf32>
      %get3A_358 = arith.constant 1 : i32
      %get3A_359 = arith.index_cast %get3A_358 : i32 to index
      %get3A_360 = arith.constant 96 : index
      %get3A_361 = tpu.vector_load %arg13[%get3A_359, %get3A_360] {strides = array<i32>} : memref<8x128xf32, #tpu.memory_space<vmem>>, vector<1x16xf32>,
      %get3A_362 = vector.shape_cast %get3A_361 : vector<1x16xf32> to vector<16xf32>
      %add3A_363 = arith.addf %get3A_357, %get3A_362 : vector<16xf32>
      %get3A_364 = arith.constant 1 : i32
      %get3A_365 = arith.index_cast %get3A_364 : i32 to index
      %get3A_366 = arith.constant 96 : index
      %get3A_367 = tpu.vector_load %arg14[%get3A_365, %get3A_366] {strides = array<i32>} : memref<8x128xf32, #tpu.memory_space<vmem>>, vector<1x16xf32>,
      %get3A_368 = vector.shape_cast %get3A_367 : vector<1x16xf32> to vector<16xf32>
      %add3A_369 = arith.addf %add3A_363, %get3A_368 : vector<16xf32>
      %swap3A_370 = arith.constant 1 : i32
      %swap3A_371 = arith.index_cast %swap3A_370 : i32 to index
      %swap3A_372 = arith.constant 96 : index
      %swap3A_373 = tpu.vector_load %arg15[%swap3A_371, %swap3A_372] {strides = array<i32>} : memref<8x128xf32, #tpu.memory_space<vmem>>, vector<1x16xf32>,
      %swap3A_374 = vector.shape_cast %swap3A_373 : vector<1x16xf32> to vector<16xf32>
      %swap3A_375 = vector.shape_cast %add3A_369 : vector<16xf32> to vector<1x16xf32>
      tpu.vector_store %arg15[%swap3A_371, %swap3A_372], %swap3A_375 {strides = array<i32>} : memref<8x128xf32, #tpu.memory_space<vmem>>, vector<1x16xf32>,
      %get3A_376 = arith.constant 1 : i32
      %get3A_377 = arith.index_cast %get3A_376 : i32 to index
      %get3A_378 = arith.constant 112 : index
      %get3A_379 = tpu.vector_load %arg12[%get3A_377, %get3A_378] {strides = array<i32>} : memref<8x128xf32, #tpu.memory_space<vmem>>, vector<1x16xf32>,
      %get3A_380 = vector.shape_cast %get3A_379 : vector<1x16xf32> to vector<16xf32>
      %get3A_381 = arith.constant 1 : i32
      %get3A_382 = arith.index_cast %get3A_381 : i32 to index
      %get3A_383 = arith.constant 112 : index
      %get3A_384 = tpu.vector_load %arg13[%get3A_382, %get3A_383] {strides = array<i32>} : memref<8x128xf32, #tpu.memory_space<vmem>>, vector<1x16xf32>,
      %get3A_385 = vector.shape_cast %get3A_384 : vector<1x16xf32> to vector<16xf32>
      %add3A_386 = arith.addf %get3A_380, %get3A_385 : vector<16xf32>
      %get3A_387 = arith.constant 1 : i32
      %get3A_388 = arith.index_cast %get3A_387 : i32 to index
      %get3A_389 = arith.constant 112 : index
      %get3A_390 = tpu.vector_load %arg14[%get3A_388, %get3A_389] {strides = array<i32>} : memref<8x128xf32, #tpu.memory_space<vmem>>, vector<1x16xf32>,
      %get3A_391 = vector.shape_cast %get3A_390 : vector<1x16xf32> to vector<16xf32>
      %add3A_392 = arith.addf %add3A_386, %get3A_391 : vector<16xf32>
      %swap3A_393 = arith.constant 1 : i32
      %swap3A_394 = arith.index_cast %swap3A_393 : i32 to index
      %swap3A_395 = arith.constant 112 : index
      %swap3A_396 = tpu.vector_load %arg15[%swap3A_394, %swap3A_395] {strides = array<i32>} : memref<8x128xf32, #tpu.memory_space<vmem>>, vector<1x16xf32>,
      %swap3A_397 = vector.shape_cast %swap3A_396 : vector<1x16xf32> to vector<16xf32>
      %swap3A_398 = vector.shape_cast %add3A_392 : vector<16xf32> to vector<1x16xf32>
      tpu.vector_store %arg15[%swap3A_394, %swap3A_395], %swap3A_398 {strides = array<i32>} : memref<8x128xf32, #tpu.memory_space<vmem>>, vector<1x16xf32>,
      %get3A_399 = arith.constant 2 : i32
      %get3A_400 = arith.index_cast %get3A_399 : i32 to index
      %get3A_401 = arith.constant 0 : index
      %get3A_402 = tpu.vector_load %arg12[%get3A_400, %get3A_401] {strides = array<i32>} : memref<8x128xf32, #tpu.memory_space<vmem>>, vector<1x16xf32>,
      %get3A_403 = vector.shape_cast %get3A_402 : vector<1x16xf32> to vector<16xf32>
      %get3A_404 = arith.constant 2 : i32
      %get3A_405 = arith.index_cast %get3A_404 : i32 to index
      %get3A_406 = arith.constant 0 : index
      %get3A_407 = tpu.vector_load %arg13[%get3A_405, %get3A_406] {strides = array<i32>} : memref<8x128xf32, #tpu.memory_space<vmem>>, vector<1x16xf32>,
      %get3A_408 = vector.shape_cast %get3A_407 : vector<1x16xf32> to vector<16xf32>
      %add3A_409 = arith.addf %get3A_403, %get3A_408 : vector<16xf32>
      %get3A_410 = arith.constant 2 : i32
      %get3A_411 = arith.index_cast %get3A_410 : i32 to index
      %get3A_412 = arith.constant 0 : index
      %get3A_413 = tpu.vector_load %arg14[%get3A_411, %get3A_412] {strides = array<i32>} : memref<8x128xf32, #tpu.memory_space<vmem>>, vector<1x16xf32>,
      %get3A_414 = vector.shape_cast %get3A_413 : vector<1x16xf32> to vector<16xf32>
      %add3A_415 = arith.addf %add3A_409, %get3A_414 : vector<16xf32>
      %swap3A_416 = arith.constant 2 : i32
      %swap3A_417 = arith.index_cast %swap3A_416 : i32 to index
      %swap3A_418 = arith.constant 0 : index
      %swap3A_419 = tpu.vector_load %arg15[%swap3A_417, %swap3A_418] {strides = array<i32>} : memref<8x128xf32, #tpu.memory_space<vmem>>, vector<1x16xf32>,
      %swap3A_420 = vector.shape_cast %swap3A_419 : vector<1x16xf32> to vector<16xf32>
      %swap3A_421 = vector.shape_cast %add3A_415 : vector<16xf32> to vector<1x16xf32>
      tpu.vector_store %arg15[%swap3A_417, %swap3A_418], %swap3A_421 {strides = array<i32>} : memref<8x128xf32, #tpu.memory_space<vmem>>, vector<1x16xf32>,
      %get3A_422 = arith.constant 2 : i32
      %get3A_423 = arith.index_cast %get3A_422 : i32 to index
      %get3A_424 = arith.constant 16 : index
      %get3A_425 = tpu.vector_load %arg12[%get3A_423, %get3A_424] {strides = array<i32>} : memref<8x128xf32, #tpu.memory_space<vmem>>, vector<1x16xf32>,
      %get3A_426 = vector.shape_cast %get3A_425 : vector<1x16xf32> to vector<16xf32>
      %get3A_427 = arith.constant 2 : i32
      %get3A_428 = arith.index_cast %get3A_427 : i32 to index
      %get3A_429 = arith.constant 16 : index
      %get3A_430 = tpu.vector_load %arg13[%get3A_428, %get3A_429] {strides = array<i32>} : memref<8x128xf32, #tpu.memory_space<vmem>>, vector<1x16xf32>,
      %get3A_431 = vector.shape_cast %get3A_430 : vector<1x16xf32> to vector<16xf32>
      %add3A_432 = arith.addf %get3A_426, %get3A_431 : vector<16xf32>
      %get3A_433 = arith.constant 2 : i32
      %get3A_434 = arith.index_cast %get3A_433 : i32 to index
      %get3A_435 = arith.constant 16 : index
      %get3A_436 = tpu.vector_load %arg14[%get3A_434, %get3A_435] {strides = array<i32>} : memref<8x128xf32, #tpu.memory_space<vmem>>, vector<1x16xf32>,
      %get3A_437 = vector.shape_cast %get3A_436 : vector<1x16xf32> to vector<16xf32>
      %add3A_438 = arith.addf %add3A_432, %get3A_437 : vector<16xf32>
      %swap3A_439 = arith.constant 2 : i32
      %swap3A_440 = arith.index_cast %swap3A_439 : i32 to index
      %swap3A_441 = arith.constant 16 : index
      %swap3A_442 = tpu.vector_load %arg15[%swap3A_440, %swap3A_441] {strides = array<i32>} : memref<8x128xf32, #tpu.memory_space<vmem>>, vector<1x16xf32>,
      %swap3A_443 = vector.shape_cast %swap3A_442 : vector<1x16xf32> to vector<16xf32>
      %swap3A_444 = vector.shape_cast %add3A_438 : vector<16xf32> to vector<1x16xf32>
      tpu.vector_store %arg15[%swap3A_440, %swap3A_441], %swap3A_444 {strides = array<i32>} : memref<8x128xf32, #tpu.memory_space<vmem>>, vector<1x16xf32>,
      %get3A_445 = arith.constant 2 : i32
      %get3A_446 = arith.index_cast %get3A_445 : i32 to index
      %get3A_447 = arith.constant 32 : index
      %get3A_448 = tpu.vector_load %arg12[%get3A_446, %get3A_447] {strides = array<i32>} : memref<8x128xf32, #tpu.memory_space<vmem>>, vector<1x16xf32>,
      %get3A_449 = vector.shape_cast %get3A_448 : vector<1x16xf32> to vector<16xf32>
      %get3A_450 = arith.constant 2 : i32
      %get3A_451 = arith.index_cast %get3A_450 : i32 to index
      %get3A_452 = arith.constant 32 : index
      %get3A_453 = tpu.vector_load %arg13[%get3A_451, %get3A_452] {strides = array<i32>} : memref<8x128xf32, #tpu.memory_space<vmem>>, vector<1x16xf32>,
      %get3A_454 = vector.shape_cast %get3A_453 : vector<1x16xf32> to vector<16xf32>
      %add3A_455 = arith.addf %get3A_449, %get3A_454 : vector<16xf32>
      %get3A_456 = arith.constant 2 : i32
      %get3A_457 = arith.index_cast %get3A_456 : i32 to index
      %get3A_458 = arith.constant 32 : index
      %get3A_459 = tpu.vector_load %arg14[%get3A_457, %get3A_458] {strides = array<i32>} : memref<8x128xf32, #tpu.memory_space<vmem>>, vector<1x16xf32>,
      %get3A_460 = vector.shape_cast %get3A_459 : vector<1x16xf32> to vector<16xf32>
      %add3A_461 = arith.addf %add3A_455, %get3A_460 : vector<16xf32>
      %swap3A_462 = arith.constant 2 : i32
      %swap3A_463 = arith.index_cast %swap3A_462 : i32 to index
      %swap3A_464 = arith.constant 32 : index
      %swap3A_465 = tpu.vector_load %arg15[%swap3A_463, %swap3A_464] {strides = array<i32>} : memref<8x128xf32, #tpu.memory_space<vmem>>, vector<1x16xf32>,
      %swap3A_466 = vector.shape_cast %swap3A_465 : vector<1x16xf32> to vector<16xf32>
      %swap3A_467 = vector.shape_cast %add3A_461 : vector<16xf32> to vector<1x16xf32>
      tpu.vector_store %arg15[%swap3A_463, %swap3A_464], %swap3A_467 {strides = array<i32>} : memref<8x128xf32, #tpu.memory_space<vmem>>, vector<1x16xf32>,
      %get3A_468 = arith.constant 2 : i32
      %get3A_469 = arith.index_cast %get3A_468 : i32 to index
      %get3A_470 = arith.constant 48 : index
      %get3A_471 = tpu.vector_load %arg12[%get3A_469, %get3A_470] {strides = array<i32>} : memref<8x128xf32, #tpu.memory_space<vmem>>, vector<1x16xf32>,
      %get3A_472 = vector.shape_cast %get3A_471 : vector<1x16xf32> to vector<16xf32>
      %get3A_473 = arith.constant 2 : i32
      %get3A_474 = arith.index_cast %get3A_473 : i32 to index
      %get3A_475 = arith.constant 48 : index
      %get3A_476 = tpu.vector_load %arg13[%get3A_474, %get3A_475] {strides = array<i32>} : memref<8x128xf32, #tpu.memory_space<vmem>>, vector<1x16xf32>,
      %get3A_477 = vector.shape_cast %get3A_476 : vector<1x16xf32> to vector<16xf32>
      %add3A_478 = arith.addf %get3A_472, %get3A_477 : vector<16xf32>
      %get3A_479 = arith.constant 2 : i32
      %get3A_480 = arith.index_cast %get3A_479 : i32 to index
      %get3A_481 = arith.constant 48 : index
      %get3A_482 = tpu.vector_load %arg14[%get3A_480, %get3A_481] {strides = array<i32>} : memref<8x128xf32, #tpu.memory_space<vmem>>, vector<1x16xf32>,
      %get3A_483 = vector.shape_cast %get3A_482 : vector<1x16xf32> to vector<16xf32>
      %add3A_484 = arith.addf %add3A_478, %get3A_483 : vector<16xf32>
      %swap3A_485 = arith.constant 2 : i32
      %swap3A_486 = arith.index_cast %swap3A_485 : i32 to index
      %swap3A_487 = arith.constant 48 : index
      %swap3A_488 = tpu.vector_load %arg15[%swap3A_486, %swap3A_487] {strides = array<i32>} : memref<8x128xf32, #tpu.memory_space<vmem>>, vector<1x16xf32>,
      %swap3A_489 = vector.shape_cast %swap3A_488 : vector<1x16xf32> to vector<16xf32>
      %swap3A_490 = vector.shape_cast %add3A_484 : vector<16xf32> to vector<1x16xf32>
      tpu.vector_store %arg15[%swap3A_486, %swap3A_487], %swap3A_490 {strides = array<i32>} : memref<8x128xf32, #tpu.memory_space<vmem>>, vector<1x16xf32>,
      %get3A_491 = arith.constant 2 : i32
      %get3A_492 = arith.index_cast %get3A_491 : i32 to index
      %get3A_493 = arith.constant 64 : index
      %get3A_494 = tpu.vector_load %arg12[%get3A_492, %get3A_493] {strides = array<i32>} : memref<8x128xf32, #tpu.memory_space<vmem>>, vector<1x16xf32>,
      %get3A_495 = vector.shape_cast %get3A_494 : vector<1x16xf32> to vector<16xf32>
      %get3A_496 = arith.constant 2 : i32
      %get3A_497 = arith.index_cast %get3A_496 : i32 to index
      %get3A_498 = arith.constant 64 : index
      %get3A_499 = tpu.vector_load %arg13[%get3A_497, %get3A_498] {strides = array<i32>} : memref<8x128xf32, #tpu.memory_space<vmem>>, vector<1x16xf32>,
      %get3A_500 = vector.shape_cast %get3A_499 : vector<1x16xf32> to vector<16xf32>
      %add3A_501 = arith.addf %get3A_495, %get3A_500 : vector<16xf32>
      %get3A_502 = arith.constant 2 : i32
      %get3A_503 = arith.index_cast %get3A_502 : i32 to index
      %get3A_504 = arith.constant 64 : index
      %get3A_505 = tpu.vector_load %arg14[%get3A_503, %get3A_504] {strides = array<i32>} : memref<8x128xf32, #tpu.memory_space<vmem>>, vector<1x16xf32>,
      %get3A_506 = vector.shape_cast %get3A_505 : vector<1x16xf32> to vector<16xf32>
      %add3A_507 = arith.addf %add3A_501, %get3A_506 : vector<16xf32>
      %swap3A_508 = arith.constant 2 : i32
      %swap3A_509 = arith.index_cast %swap3A_508 : i32 to index
      %swap3A_510 = arith.constant 64 : index
      %swap3A_511 = tpu.vector_load %arg15[%swap3A_509, %swap3A_510] {strides = array<i32>} : memref<8x128xf32, #tpu.memory_space<vmem>>, vector<1x16xf32>,
      %swap3A_512 = vector.shape_cast %swap3A_511 : vector<1x16xf32> to vector<16xf32>
      %swap3A_513 = vector.shape_cast %add3A_507 : vector<16xf32> to vector<1x16xf32>
      tpu.vector_store %arg15[%swap3A_509, %swap3A_510], %swap3A_513 {strides = array<i32>} : memref<8x128xf32, #tpu.memory_space<vmem>>, vector<1x16xf32>,
      %get3A_514 = arith.constant 2 : i32
      %get3A_515 = arith.index_cast %get3A_514 : i32 to index
      %get3A_516 = arith.constant 80 : index
      %get3A_517 = tpu.vector_load %arg12[%get3A_515, %get3A_516] {strides = array<i32>} : memref<8x128xf32, #tpu.memory_space<vmem>>, vector<1x16xf32>,
      %get3A_518 = vector.shape_cast %get3A_517 : vector<1x16xf32> to vector<16xf32>
      %get3A_519 = arith.constant 2 : i32
      %get3A_520 = arith.index_cast %get3A_519 : i32 to index
      %get3A_521 = arith.constant 80 : index
      %get3A_522 = tpu.vector_load %arg13[%get3A_520, %get3A_521] {strides = array<i32>} : memref<8x128xf32, #tpu.memory_space<vmem>>, vector<1x16xf32>,
      %get3A_523 = vector.shape_cast %get3A_522 : vector<1x16xf32> to vector<16xf32>
      %add3A_524 = arith.addf %get3A_518, %get3A_523 : vector<16xf32>
      %get3A_525 = arith.constant 2 : i32
      %get3A_526 = arith.index_cast %get3A_525 : i32 to index
      %get3A_527 = arith.constant 80 : index
      %get3A_528 = tpu.vector_load %arg14[%get3A_526, %get3A_527] {strides = array<i32>} : memref<8x128xf32, #tpu.memory_space<vmem>>, vector<1x16xf32>,
      %get3A_529 = vector.shape_cast %get3A_528 : vector<1x16xf32> to vector<16xf32>
      %add3A_530 = arith.addf %add3A_524, %get3A_529 : vector<16xf32>
      %swap3A_531 = arith.constant 2 : i32
      %swap3A_532 = arith.index_cast %swap3A_531 : i32 to index
      %swap3A_533 = arith.constant 80 : index
      %swap3A_534 = tpu.vector_load %arg15[%swap3A_532, %swap3A_533] {strides = array<i32>} : memref<8x128xf32, #tpu.memory_space<vmem>>, vector<1x16xf32>,
      %swap3A_535 = vector.shape_cast %swap3A_534 : vector<1x16xf32> to vector<16xf32>
      %swap3A_536 = vector.shape_cast %add3A_530 : vector<16xf32> to vector<1x16xf32>
      tpu.vector_store %arg15[%swap3A_532, %swap3A_533], %swap3A_536 {strides = array<i32>} : memref<8x128xf32, #tpu.memory_space<vmem>>, vector<1x16xf32>,
      %get3A_537 = arith.constant 2 : i32
      %get3A_538 = arith.index_cast %get3A_537 : i32 to index
      %get3A_539 = arith.constant 96 : index
      %get3A_540 = tpu.vector_load %arg12[%get3A_538, %get3A_539] {strides = array<i32>} : memref<8x128xf32, #tpu.memory_space<vmem>>, vector<1x16xf32>,
      %get3A_541 = vector.shape_cast %get3A_540 : vector<1x16xf32> to vector<16xf32>
      %get3A_542 = arith.constant 2 : i32
      %get3A_543 = arith.index_cast %get3A_542 : i32 to index
      %get3A_544 = arith.constant 96 : index
      %get3A_545 = tpu.vector_load %arg13[%get3A_543, %get3A_544] {strides = array<i32>} : memref<8x128xf32, #tpu.memory_space<vmem>>, vector<1x16xf32>,
      %get3A_546 = vector.shape_cast %get3A_545 : vector<1x16xf32> to vector<16xf32>
      %add3A_547 = arith.addf %get3A_541, %get3A_546 : vector<16xf32>
      %get3A_548 = arith.constant 2 : i32
      %get3A_549 = arith.index_cast %get3A_548 : i32 to index
      %get3A_550 = arith.constant 96 : index
      %get3A_551 = tpu.vector_load %arg14[%get3A_549, %get3A_550] {strides = array<i32>} : memref<8x128xf32, #tpu.memory_space<vmem>>, vector<1x16xf32>,
      %get3A_552 = vector.shape_cast %get3A_551 : vector<1x16xf32> to vector<16xf32>
      %add3A_553 = arith.addf %add3A_547, %get3A_552 : vector<16xf32>
      %swap3A_554 = arith.constant 2 : i32
      %swap3A_555 = arith.index_cast %swap3A_554 : i32 to index
      %swap3A_556 = arith.constant 96 : index
      %swap3A_557 = tpu.vector_load %arg15[%swap3A_555, %swap3A_556] {strides = array<i32>} : memref<8x128xf32, #tpu.memory_space<vmem>>, vector<1x16xf32>,
      %swap3A_558 = vector.shape_cast %swap3A_557 : vector<1x16xf32> to vector<16xf32>
      %swap3A_559 = vector.shape_cast %add3A_553 : vector<16xf32> to vector<1x16xf32>
      tpu.vector_store %arg15[%swap3A_555, %swap3A_556], %swap3A_559 {strides = array<i32>} : memref<8x128xf32, #tpu.memory_space<vmem>>, vector<1x16xf32>,
      %get3A_560 = arith.constant 2 : i32
      %get3A_561 = arith.index_cast %get3A_560 : i32 to index
      %get3A_562 = arith.constant 112 : index
      %get3A_563 = tpu.vector_load %arg12[%get3A_561, %get3A_562] {strides = array<i32>} : memref<8x128xf32, #tpu.memory_space<vmem>>, vector<1x16xf32>,
      %get3A_564 = vector.shape_cast %get3A_563 : vector<1x16xf32> to vector<16xf32>
      %get3A_565 = arith.constant 2 : i32
      %get3A_566 = arith.index_cast %get3A_565 : i32 to index
      %get3A_567 = arith.constant 112 : index
      %get3A_568 = tpu.vector_load %arg13[%get3A_566, %get3A_567] {strides = array<i32>} : memref<8x128xf32, #tpu.memory_space<vmem>>, vector<1x16xf32>,
      %get3A_569 = vector.shape_cast %get3A_568 : vector<1x16xf32> to vector<16xf32>
      %add3A_570 = arith.addf %get3A_564, %get3A_569 : vector<16xf32>
      %get3A_571 = arith.constant 2 : i32
      %get3A_572 = arith.index_cast %get3A_571 : i32 to index
      %get3A_573 = arith.constant 112 : index
      %get3A_574 = tpu.vector_load %arg14[%get3A_572, %get3A_573] {strides = array<i32>} : memref<8x128xf32, #tpu.memory_space<vmem>>, vector<1x16xf32>,
      %get3A_575 = vector.shape_cast %get3A_574 : vector<1x16xf32> to vector<16xf32>
      %add3A_576 = arith.addf %add3A_570, %get3A_575 : vector<16xf32>
      %swap3A_577 = arith.constant 2 : i32
      %swap3A_578 = arith.index_cast %swap3A_577 : i32 to index
      %swap3A_579 = arith.constant 112 : index
      %swap3A_580 = tpu.vector_load %arg15[%swap3A_578, %swap3A_579] {strides = array<i32>} : memref<8x128xf32, #tpu.memory_space<vmem>>, vector<1x16xf32>,
      %swap3A_581 = vector.shape_cast %swap3A_580 : vector<1x16xf32> to vector<16xf32>
      %swap3A_582 = vector.shape_cast %add3A_576 : vector<16xf32> to vector<1x16xf32>
      tpu.vector_store %arg15[%swap3A_578, %swap3A_579], %swap3A_582 {strides = array<i32>} : memref<8x128xf32, #tpu.memory_space<vmem>>, vector<1x16xf32>,
      %get3A_583 = arith.constant 3 : i32
      %get3A_584 = arith.index_cast %get3A_583 : i32 to index
      %get3A_585 = arith.constant 0 : index
      %get3A_586 = tpu.vector_load %arg12[%get3A_584, %get3A_585] {strides = array<i32>} : memref<8x128xf32, #tpu.memory_space<vmem>>, vector<1x16xf32>,
      %get3A_587 = vector.shape_cast %get3A_586 : vector<1x16xf32> to vector<16xf32>
      %get3A_588 = arith.constant 3 : i32
      %get3A_589 = arith.index_cast %get3A_588 : i32 to index
      %get3A_590 = arith.constant 0 : index
      %get3A_591 = tpu.vector_load %arg13[%get3A_589, %get3A_590] {strides = array<i32>} : memref<8x128xf32, #tpu.memory_space<vmem>>, vector<1x16xf32>,
      %get3A_592 = vector.shape_cast %get3A_591 : vector<1x16xf32> to vector<16xf32>
      %add3A_593 = arith.addf %get3A_587, %get3A_592 : vector<16xf32>
      %get3A_594 = arith.constant 3 : i32
      %get3A_595 = arith.index_cast %get3A_594 : i32 to index
      %get3A_596 = arith.constant 0 : index
      %get3A_597 = tpu.vector_load %arg14[%get3A_595, %get3A_596] {strides = array<i32>} : memref<8x128xf32, #tpu.memory_space<vmem>>, vector<1x16xf32>,
      %get3A_598 = vector.shape_cast %get3A_597 : vector<1x16xf32> to vector<16xf32>
      %add3A_599 = arith.addf %add3A_593, %get3A_598 : vector<16xf32>
      %swap3A_600 = arith.constant 3 : i32
      %swap3A_601 = arith.index_cast %swap3A_600 : i32 to index
      %swap3A_602 = arith.constant 0 : index
      %swap3A_603 = tpu.vector_load %arg15[%swap3A_601, %swap3A_602] {strides = array<i32>} : memref<8x128xf32, #tpu.memory_space<vmem>>, vector<1x16xf32>,
      %swap3A_604 = vector.shape_cast %swap3A_603 : vector<1x16xf32> to vector<16xf32>
      %swap3A_605 = vector.shape_cast %add3A_599 : vector<16xf32> to vector<1x16xf32>
      tpu.vector_store %arg15[%swap3A_601, %swap3A_602], %swap3A_605 {strides = array<i32>} : memref<8x128xf32, #tpu.memory_space<vmem>>, vector<1x16xf32>,
      %get3A_606 = arith.constant 3 : i32
      %get3A_607 = arith.index_cast %get3A_606 : i32 to index
      %get3A_608 = arith.constant 16 : index
      %get3A_609 = tpu.vector_load %arg12[%get3A_607, %get3A_608] {strides = array<i32>} : memref<8x128xf32, #tpu.memory_space<vmem>>, vector<1x16xf32>,
      %get3A_610 = vector.shape_cast %get3A_609 : vector<1x16xf32> to vector<16xf32>
      %get3A_611 = arith.constant 3 : i32
      %get3A_612 = arith.index_cast %get3A_611 : i32 to index
      %get3A_613 = arith.constant 16 : index
      %get3A_614 = tpu.vector_load %arg13[%get3A_612, %get3A_613] {strides = array<i32>} : memref<8x128xf32, #tpu.memory_space<vmem>>, vector<1x16xf32>,
      %get3A_615 = vector.shape_cast %get3A_614 : vector<1x16xf32> to vector<16xf32>
      %add3A_616 = arith.addf %get3A_610, %get3A_615 : vector<16xf32>
      %get3A_617 = arith.constant 3 : i32
      %get3A_618 = arith.index_cast %get3A_617 : i32 to index
      %get3A_619 = arith.constant 16 : index
      %get3A_620 = tpu.vector_load %arg14[%get3A_618, %get3A_619] {strides = array<i32>} : memref<8x128xf32, #tpu.memory_space<vmem>>, vector<1x16xf32>,
      %get3A_621 = vector.shape_cast %get3A_620 : vector<1x16xf32> to vector<16xf32>
      %add3A_622 = arith.addf %add3A_616, %get3A_621 : vector<16xf32>
      %swap3A_623 = arith.constant 3 : i32
      %swap3A_624 = arith.index_cast %swap3A_623 : i32 to index
      %swap3A_625 = arith.constant 16 : index
      %swap3A_626 = tpu.vector_load %arg15[%swap3A_624, %swap3A_625] {strides = array<i32>} : memref<8x128xf32, #tpu.memory_space<vmem>>, vector<1x16xf32>,
      %swap3A_627 = vector.shape_cast %swap3A_626 : vector<1x16xf32> to vector<16xf32>
      %swap3A_628 = vector.shape_cast %add3A_622 : vector<16xf32> to vector<1x16xf32>
      tpu.vector_store %arg15[%swap3A_624, %swap3A_625], %swap3A_628 {strides = array<i32>} : memref<8x128xf32, #tpu.memory_space<vmem>>, vector<1x16xf32>,
      %get3A_629 = arith.constant 3 : i32
      %get3A_630 = arith.index_cast %get3A_629 : i32 to index
      %get3A_631 = arith.constant 32 : index
      %get3A_632 = tpu.vector_load %arg12[%get3A_630, %get3A_631] {strides = array<i32>} : memref<8x128xf32, #tpu.memory_space<vmem>>, vector<1x16xf32>,
      %get3A_633 = vector.shape_cast %get3A_632 : vector<1x16xf32> to vector<16xf32>
      %get3A_634 = arith.constant 3 : i32
      %get3A_635 = arith.index_cast %get3A_634 : i32 to index
      %get3A_636 = arith.constant 32 : index
      %get3A_637 = tpu.vector_load %arg13[%get3A_635, %get3A_636] {strides = array<i32>} : memref<8x128xf32, #tpu.memory_space<vmem>>, vector<1x16xf32>,
      %get3A_638 = vector.shape_cast %get3A_637 : vector<1x16xf32> to vector<16xf32>
      %add3A_639 = arith.addf %get3A_633, %get3A_638 : vector<16xf32>
      %get3A_640 = arith.constant 3 : i32
      %get3A_641 = arith.index_cast %get3A_640 : i32 to index
      %get3A_642 = arith.constant 32 : index
      %get3A_643 = tpu.vector_load %arg14[%get3A_641, %get3A_642] {strides = array<i32>} : memref<8x128xf32, #tpu.memory_space<vmem>>, vector<1x16xf32>,
      %get3A_644 = vector.shape_cast %get3A_643 : vector<1x16xf32> to vector<16xf32>
      %add3A_645 = arith.addf %add3A_639, %get3A_644 : vector<16xf32>
      %swap3A_646 = arith.constant 3 : i32
      %swap3A_647 = arith.index_cast %swap3A_646 : i32 to index
      %swap3A_648 = arith.constant 32 : index
      %swap3A_649 = tpu.vector_load %arg15[%swap3A_647, %swap3A_648] {strides = array<i32>} : memref<8x128xf32, #tpu.memory_space<vmem>>, vector<1x16xf32>,
      %swap3A_650 = vector.shape_cast %swap3A_649 : vector<1x16xf32> to vector<16xf32>
      %swap3A_651 = vector.shape_cast %add3A_645 : vector<16xf32> to vector<1x16xf32>
      tpu.vector_store %arg15[%swap3A_647, %swap3A_648], %swap3A_651 {strides = array<i32>} : memref<8x128xf32, #tpu.memory_space<vmem>>, vector<1x16xf32>,
      %get3A_652 = arith.constant 3 : i32
      %get3A_653 = arith.index_cast %get3A_652 : i32 to index
      %get3A_654 = arith.constant 48 : index
      %get3A_655 = tpu.vector_load %arg12[%get3A_653, %get3A_654] {strides = array<i32>} : memref<8x128xf32, #tpu.memory_space<vmem>>, vector<1x16xf32>,
      %get3A_656 = vector.shape_cast %get3A_655 : vector<1x16xf32> to vector<16xf32>
      %get3A_657 = arith.constant 3 : i32
      %get3A_658 = arith.index_cast %get3A_657 : i32 to index
      %get3A_659 = arith.constant 48 : index
      %get3A_660 = tpu.vector_load %arg13[%get3A_658, %get3A_659] {strides = array<i32>} : memref<8x128xf32, #tpu.memory_space<vmem>>, vector<1x16xf32>,
      %get3A_661 = vector.shape_cast %get3A_660 : vector<1x16xf32> to vector<16xf32>
      %add3A_662 = arith.addf %get3A_656, %get3A_661 : vector<16xf32>
      %get3A_663 = arith.constant 3 : i32
      %get3A_664 = arith.index_cast %get3A_663 : i32 to index
      %get3A_665 = arith.constant 48 : index
      %get3A_666 = tpu.vector_load %arg14[%get3A_664, %get3A_665] {strides = array<i32>} : memref<8x128xf32, #tpu.memory_space<vmem>>, vector<1x16xf32>,
      %get3A_667 = vector.shape_cast %get3A_666 : vector<1x16xf32> to vector<16xf32>
      %add3A_668 = arith.addf %add3A_662, %get3A_667 : vector<16xf32>
      %swap3A_669 = arith.constant 3 : i32
      %swap3A_670 = arith.index_cast %swap3A_669 : i32 to index
      %swap3A_671 = arith.constant 48 : index
      %swap3A_672 = tpu.vector_load %arg15[%swap3A_670, %swap3A_671] {strides = array<i32>} : memref<8x128xf32, #tpu.memory_space<vmem>>, vector<1x16xf32>,
      %swap3A_673 = vector.shape_cast %swap3A_672 : vector<1x16xf32> to vector<16xf32>
      %swap3A_674 = vector.shape_cast %add3A_668 : vector<16xf32> to vector<1x16xf32>
      tpu.vector_store %arg15[%swap3A_670, %swap3A_671], %swap3A_674 {strides = array<i32>} : memref<8x128xf32, #tpu.memory_space<vmem>>, vector<1x16xf32>,
      %get3A_675 = arith.constant 3 : i32
      %get3A_676 = arith.index_cast %get3A_675 : i32 to index
      %get3A_677 = arith.constant 64 : index
      %get3A_678 = tpu.vector_load %arg12[%get3A_676, %get3A_677] {strides = array<i32>} : memref<8x128xf32, #tpu.memory_space<vmem>>, vector<1x16xf32>,
      %get3A_679 = vector.shape_cast %get3A_678 : vector<1x16xf32> to vector<16xf32>
      %get3A_680 = arith.constant 3 : i32
      %get3A_681 = arith.index_cast %get3A_680 : i32 to index
      %get3A_682 = arith.constant 64 : index
      %get3A_683 = tpu.vector_load %arg13[%get3A_681, %get3A_682] {strides = array<i32>} : memref<8x128xf32, #tpu.memory_space<vmem>>, vector<1x16xf32>,
      %get3A_684 = vector.shape_cast %get3A_683 : vector<1x16xf32> to vector<16xf32>
      %add3A_685 = arith.addf %get3A_679, %get3A_684 : vector<16xf32>
      %get3A_686 = arith.constant 3 : i32
      %get3A_687 = arith.index_cast %get3A_686 : i32 to index
      %get3A_688 = arith.constant 64 : index
      %get3A_689 = tpu.vector_load %arg14[%get3A_687, %get3A_688] {strides = array<i32>} : memref<8x128xf32, #tpu.memory_space<vmem>>, vector<1x16xf32>,
      %get3A_690 = vector.shape_cast %get3A_689 : vector<1x16xf32> to vector<16xf32>
      %add3A_691 = arith.addf %add3A_685, %get3A_690 : vector<16xf32>
      %swap3A_692 = arith.constant 3 : i32
      %swap3A_693 = arith.index_cast %swap3A_692 : i32 to index
      %swap3A_694 = arith.constant 64 : index
      %swap3A_695 = tpu.vector_load %arg15[%swap3A_693, %swap3A_694] {strides = array<i32>} : memref<8x128xf32, #tpu.memory_space<vmem>>, vector<1x16xf32>,
      %swap3A_696 = vector.shape_cast %swap3A_695 : vector<1x16xf32> to vector<16xf32>
      %swap3A_697 = vector.shape_cast %add3A_691 : vector<16xf32> to vector<1x16xf32>
      tpu.vector_store %arg15[%swap3A_693, %swap3A_694], %swap3A_697 {strides = array<i32>} : memref<8x128xf32, #tpu.memory_space<vmem>>, vector<1x16xf32>,
      %get3A_698 = arith.constant 3 : i32
      %get3A_699 = arith.index_cast %get3A_698 : i32 to index
      %get3A_700 = arith.constant 80 : index
      %get3A_701 = tpu.vector_load %arg12[%get3A_699, %get3A_700] {strides = array<i32>} : memref<8x128xf32, #tpu.memory_space<vmem>>, vector<1x16xf32>,
      %get3A_702 = vector.shape_cast %get3A_701 : vector<1x16xf32> to vector<16xf32>
      %get3A_703 = arith.constant 3 : i32
      %get3A_704 = arith.index_cast %get3A_703 : i32 to index
      %get3A_705 = arith.constant 80 : index
      %get3A_706 = tpu.vector_load %arg13[%get3A_704, %get3A_705] {strides = array<i32>} : memref<8x128xf32, #tpu.memory_space<vmem>>, vector<1x16xf32>,
      %get3A_707 = vector.shape_cast %get3A_706 : vector<1x16xf32> to vector<16xf32>
      %add3A_708 = arith.addf %get3A_702, %get3A_707 : vector<16xf32>
      %get3A_709 = arith.constant 3 : i32
      %get3A_710 = arith.index_cast %get3A_709 : i32 to index
      %get3A_711 = arith.constant 80 : index
      %get3A_712 = tpu.vector_load %arg14[%get3A_710, %get3A_711] {strides = array<i32>} : memref<8x128xf32, #tpu.memory_space<vmem>>, vector<1x16xf32>,
      %get3A_713 = vector.shape_cast %get3A_712 : vector<1x16xf32> to vector<16xf32>
      %add3A_714 = arith.addf %add3A_708, %get3A_713 : vector<16xf32>
      %swap3A_715 = arith.constant 3 : i32
      %swap3A_716 = arith.index_cast %swap3A_715 : i32 to index
      %swap3A_717 = arith.constant 80 : index
      %swap3A_718 = tpu.vector_load %arg15[%swap3A_716, %swap3A_717] {strides = array<i32>} : memref<8x128xf32, #tpu.memory_space<vmem>>, vector<1x16xf32>,
      %swap3A_719 = vector.shape_cast %swap3A_718 : vector<1x16xf32> to vector<16xf32>
      %swap3A_720 = vector.shape_cast %add3A_714 : vector<16xf32> to vector<1x16xf32>
      tpu.vector_store %arg15[%swap3A_716, %swap3A_717], %swap3A_720 {strides = array<i32>} : memref<8x128xf32, #tpu.memory_space<vmem>>, vector<1x16xf32>,
      %get3A_721 = arith.constant 3 : i32
      %get3A_722 = arith.index_cast %get3A_721 : i32 to index
      %get3A_723 = arith.constant 96 : index
      %get3A_724 = tpu.vector_load %arg12[%get3A_722, %get3A_723] {strides = array<i32>} : memref<8x128xf32, #tpu.memory_space<vmem>>, vector<1x16xf32>,
      %get3A_725 = vector.shape_cast %get3A_724 : vector<1x16xf32> to vector<16xf32>
      %get3A_726 = arith.constant 3 : i32
      %get3A_727 = arith.index_cast %get3A_726 : i32 to index
      %get3A_728 = arith.constant 96 : index
      %get3A_729 = tpu.vector_load %arg13[%get3A_727, %get3A_728] {strides = array<i32>} : memref<8x128xf32, #tpu.memory_space<vmem>>, vector<1x16xf32>,
      %get3A_730 = vector.shape_cast %get3A_729 : vector<1x16xf32> to vector<16xf32>
      %add3A_731 = arith.addf %get3A_725, %get3A_730 : vector<16xf32>
      %get3A_732 = arith.constant 3 : i32
      %get3A_733 = arith.index_cast %get3A_732 : i32 to index
      %get3A_734 = arith.constant 96 : index
      %get3A_735 = tpu.vector_load %arg14[%get3A_733, %get3A_734] {strides = array<i32>} : memref<8x128xf32, #tpu.memory_space<vmem>>, vector<1x16xf32>,
      %get3A_736 = vector.shape_cast %get3A_735 : vector<1x16xf32> to vector<16xf32>
      %add3A_737 = arith.addf %add3A_731, %get3A_736 : vector<16xf32>
      %swap3A_738 = arith.constant 3 : i32
      %swap3A_739 = arith.index_cast %swap3A_738 : i32 to index
      %swap3A_740 = arith.constant 96 : index
      %swap3A_741 = tpu.vector_load %arg15[%swap3A_739, %swap3A_740] {strides = array<i32>} : memref<8x128xf32, #tpu.memory_space<vmem>>, vector<1x16xf32>,
      %swap3A_742 = vector.shape_cast %swap3A_741 : vector<1x16xf32> to vector<16xf32>
      %swap3A_743 = vector.shape_cast %add3A_737 : vector<16xf32> to vector<1x16xf32>
      tpu.vector_store %arg15[%swap3A_739, %swap3A_740], %swap3A_743 {strides = array<i32>} : memref<8x128xf32, #tpu.memory_space<vmem>>, vector<1x16xf32>,
      %get3A_744 = arith.constant 3 : i32
      %get3A_745 = arith.index_cast %get3A_744 : i32 to index
      %get3A_746 = arith.constant 112 : index
      %get3A_747 = tpu.vector_load %arg12[%get3A_745, %get3A_746] {strides = array<i32>} : memref<8x128xf32, #tpu.memory_space<vmem>>, vector<1x16xf32>,
      %get3A_748 = vector.shape_cast %get3A_747 : vector<1x16xf32> to vector<16xf32>
      %get3A_749 = arith.constant 3 : i32
      %get3A_750 = arith.index_cast %get3A_749 : i32 to index
      %get3A_751 = arith.constant 112 : index
      %get3A_752 = tpu.vector_load %arg13[%get3A_750, %get3A_751] {strides = array<i32>} : memref<8x128xf32, #tpu.memory_space<vmem>>, vector<1x16xf32>,
      %get3A_753 = vector.shape_cast %get3A_752 : vector<1x16xf32> to vector<16xf32>
      %add3A_754 = arith.addf %get3A_748, %get3A_753 : vector<16xf32>
      %get3A_755 = arith.constant 3 : i32
      %get3A_756 = arith.index_cast %get3A_755 : i32 to index
      %get3A_757 = arith.constant 112 : index
      %get3A_758 = tpu.vector_load %arg14[%get3A_756, %get3A_757] {strides = array<i32>} : memref<8x128xf32, #tpu.memory_space<vmem>>, vector<1x16xf32>,
      %get3A_759 = vector.shape_cast %get3A_758 : vector<1x16xf32> to vector<16xf32>
      %add3A_760 = arith.addf %add3A_754, %get3A_759 : vector<16xf32>
      %swap3A_761 = arith.constant 3 : i32
      %swap3A_762 = arith.index_cast %swap3A_761 : i32 to index
      %swap3A_763 = arith.constant 112 : index
      %swap3A_764 = tpu.vector_load %arg15[%swap3A_762, %swap3A_763] {strides = array<i32>} : memref<8x128xf32, #tpu.memory_space<vmem>>, vector<1x16xf32>,
      %swap3A_765 = vector.shape_cast %swap3A_764 : vector<1x16xf32> to vector<16xf32>
      %swap3A_766 = vector.shape_cast %add3A_760 : vector<16xf32> to vector<1x16xf32>
      tpu.vector_store %arg15[%swap3A_762, %swap3A_763], %swap3A_766 {strides = array<i32>} : memref<8x128xf32, #tpu.memory_space<vmem>>, vector<1x16xf32>,
      %get3A_767 = arith.constant 4 : i32
      %get3A_768 = arith.index_cast %get3A_767 : i32 to index
      %get3A_769 = arith.constant 0 : index
      %get3A_770 = tpu.vector_load %arg12[%get3A_768, %get3A_769] {strides = array<i32>} : memref<8x128xf32, #tpu.memory_space<vmem>>, vector<1x16xf32>,
      %get3A_771 = vector.shape_cast %get3A_770 : vector<1x16xf32> to vector<16xf32>
      %get3A_772 = arith.constant 4 : i32
      %get3A_773 = arith.index_cast %get3A_772 : i32 to index
      %get3A_774 = arith.constant 0 : index
      %get3A_775 = tpu.vector_load %arg13[%get3A_773, %get3A_774] {strides = array<i32>} : memref<8x128xf32, #tpu.memory_space<vmem>>, vector<1x16xf32>,
      %get3A_776 = vector.shape_cast %get3A_775 : vector<1x16xf32> to vector<16xf32>
      %add3A_777 = arith.addf %get3A_771, %get3A_776 : vector<16xf32>
      %get3A_778 = arith.constant 4 : i32
      %get3A_779 = arith.index_cast %get3A_778 : i32 to index
      %get3A_780 = arith.constant 0 : index
      %get3A_781 = tpu.vector_load %arg14[%get3A_779, %get3A_780] {strides = array<i32>} : memref<8x128xf32, #tpu.memory_space<vmem>>, vector<1x16xf32>,
      %get3A_782 = vector.shape_cast %get3A_781 : vector<1x16xf32> to vector<16xf32>
      %add3A_783 = arith.addf %add3A_777, %get3A_782 : vector<16xf32>
      %swap3A_784 = arith.constant 4 : i32
      %swap3A_785 = arith.index_cast %swap3A_784 : i32 to index
      %swap3A_786 = arith.constant 0 : index
      %swap3A_787 = tpu.vector_load %arg15[%swap3A_785, %swap3A_786] {strides = array<i32>} : memref<8x128xf32, #tpu.memory_space<vmem>>, vector<1x16xf32>,
      %swap3A_788 = vector.shape_cast %swap3A_787 : vector<1x16xf32> to vector<16xf32>
      %swap3A_789 = vector.shape_cast %add3A_783 : vector<16xf32> to vector<1x16xf32>
      tpu.vector_store %arg15[%swap3A_785, %swap3A_786], %swap3A_789 {strides = array<i32>} : memref<8x128xf32, #tpu.memory_space<vmem>>, vector<1x16xf32>,
      %get3A_790 = arith.constant 4 : i32
      %get3A_791 = arith.index_cast %get3A_790 : i32 to index
      %get3A_792 = arith.constant 16 : index
      %get3A_793 = tpu.vector_load %arg12[%get3A_791, %get3A_792] {strides = array<i32>} : memref<8x128xf32, #tpu.memory_space<vmem>>, vector<1x16xf32>,
      %get3A_794 = vector.shape_cast %get3A_793 : vector<1x16xf32> to vector<16xf32>
      %get3A_795 = arith.constant 4 : i32
      %get3A_796 = arith.index_cast %get3A_795 : i32 to index
      %get3A_797 = arith.constant 16 : index
      %get3A_798 = tpu.vector_load %arg13[%get3A_796, %get3A_797] {strides = array<i32>} : memref<8x128xf32, #tpu.memory_space<vmem>>, vector<1x16xf32>,
      %get3A_799 = vector.shape_cast %get3A_798 : vector<1x16xf32> to vector<16xf32>
      %add3A_800 = arith.addf %get3A_794, %get3A_799 : vector<16xf32>
      %get3A_801 = arith.constant 4 : i32
      %get3A_802 = arith.index_cast %get3A_801 : i32 to index
      %get3A_803 = arith.constant 16 : index
      %get3A_804 = tpu.vector_load %arg14[%get3A_802, %get3A_803] {strides = array<i32>} : memref<8x128xf32, #tpu.memory_space<vmem>>, vector<1x16xf32>,
      %get3A_805 = vector.shape_cast %get3A_804 : vector<1x16xf32> to vector<16xf32>
      %add3A_806 = arith.addf %add3A_800, %get3A_805 : vector<16xf32>
      %swap3A_807 = arith.constant 4 : i32
      %swap3A_808 = arith.index_cast %swap3A_807 : i32 to index
      %swap3A_809 = arith.constant 16 : index
      %swap3A_810 = tpu.vector_load %arg15[%swap3A_808, %swap3A_809] {strides = array<i32>} : memref<8x128xf32, #tpu.memory_space<vmem>>, vector<1x16xf32>,
      %swap3A_811 = vector.shape_cast %swap3A_810 : vector<1x16xf32> to vector<16xf32>
      %swap3A_812 = vector.shape_cast %add3A_806 : vector<16xf32> to vector<1x16xf32>
      tpu.vector_store %arg15[%swap3A_808, %swap3A_809], %swap3A_812 {strides = array<i32>} : memref<8x128xf32, #tpu.memory_space<vmem>>, vector<1x16xf32>,
      %get3A_813 = arith.constant 4 : i32
      %get3A_814 = arith.index_cast %get3A_813 : i32 to index
      %get3A_815 = arith.constant 32 : index
      %get3A_816 = tpu.vector_load %arg12[%get3A_814, %get3A_815] {strides = array<i32>} : memref<8x128xf32, #tpu.memory_space<vmem>>, vector<1x16xf32>,
      %get3A_817 = vector.shape_cast %get3A_816 : vector<1x16xf32> to vector<16xf32>
      %get3A_818 = arith.constant 4 : i32
      %get3A_819 = arith.index_cast %get3A_818 : i32 to index
      %get3A_820 = arith.constant 32 : index
      %get3A_821 = tpu.vector_load %arg13[%get3A_819, %get3A_820] {strides = array<i32>} : memref<8x128xf32, #tpu.memory_space<vmem>>, vector<1x16xf32>,
      %get3A_822 = vector.shape_cast %get3A_821 : vector<1x16xf32> to vector<16xf32>
      %add3A_823 = arith.addf %get3A_817, %get3A_822 : vector<16xf32>
      %get3A_824 = arith.constant 4 : i32
      %get3A_825 = arith.index_cast %get3A_824 : i32 to index
      %get3A_826 = arith.constant 32 : index
      %get3A_827 = tpu.vector_load %arg14[%get3A_825, %get3A_826] {strides = array<i32>} : memref<8x128xf32, #tpu.memory_space<vmem>>, vector<1x16xf32>,
      %get3A_828 = vector.shape_cast %get3A_827 : vector<1x16xf32> to vector<16xf32>
      %add3A_829 = arith.addf %add3A_823, %get3A_828 : vector<16xf32>
      %swap3A_830 = arith.constant 4 : i32
      %swap3A_831 = arith.index_cast %swap3A_830 : i32 to index
      %swap3A_832 = arith.constant 32 : index
      %swap3A_833 = tpu.vector_load %arg15[%swap3A_831, %swap3A_832] {strides = array<i32>} : memref<8x128xf32, #tpu.memory_space<vmem>>, vector<1x16xf32>,
      %swap3A_834 = vector.shape_cast %swap3A_833 : vector<1x16xf32> to vector<16xf32>
      %swap3A_835 = vector.shape_cast %add3A_829 : vector<16xf32> to vector<1x16xf32>
      tpu.vector_store %arg15[%swap3A_831, %swap3A_832], %swap3A_835 {strides = array<i32>} : memref<8x128xf32, #tpu.memory_space<vmem>>, vector<1x16xf32>,
      %get3A_836 = arith.constant 4 : i32
      %get3A_837 = arith.index_cast %get3A_836 : i32 to index
      %get3A_838 = arith.constant 48 : index
      %get3A_839 = tpu.vector_load %arg12[%get3A_837, %get3A_838] {strides = array<i32>} : memref<8x128xf32, #tpu.memory_space<vmem>>, vector<1x16xf32>,
      %get3A_840 = vector.shape_cast %get3A_839 : vector<1x16xf32> to vector<16xf32>
      %get3A_841 = arith.constant 4 : i32
      %get3A_842 = arith.index_cast %get3A_841 : i32 to index
      %get3A_843 = arith.constant 48 : index
      %get3A_844 = tpu.vector_load %arg13[%get3A_842, %get3A_843] {strides = array<i32>} : memref<8x128xf32, #tpu.memory_space<vmem>>, vector<1x16xf32>,
      %get3A_845 = vector.shape_cast %get3A_844 : vector<1x16xf32> to vector<16xf32>
      %add3A_846 = arith.addf %get3A_840, %get3A_845 : vector<16xf32>
      %get3A_847 = arith.constant 4 : i32
      %get3A_848 = arith.index_cast %get3A_847 : i32 to index
      %get3A_849 = arith.constant 48 : index
      %get3A_850 = tpu.vector_load %arg14[%get3A_848, %get3A_849] {strides = array<i32>} : memref<8x128xf32, #tpu.memory_space<vmem>>, vector<1x16xf32>,
      %get3A_851 = vector.shape_cast %get3A_850 : vector<1x16xf32> to vector<16xf32>
      %add3A_852 = arith.addf %add3A_846, %get3A_851 : vector<16xf32>
      %swap3A_853 = arith.constant 4 : i32
      %swap3A_854 = arith.index_cast %swap3A_853 : i32 to index
      %swap3A_855 = arith.constant 48 : index
      %swap3A_856 = tpu.vector_load %arg15[%swap3A_854, %swap3A_855] {strides = array<i32>} : memref<8x128xf32, #tpu.memory_space<vmem>>, vector<1x16xf32>,
      %swap3A_857 = vector.shape_cast %swap3A_856 : vector<1x16xf32> to vector<16xf32>
      %swap3A_858 = vector.shape_cast %add3A_852 : vector<16xf32> to vector<1x16xf32>
      tpu.vector_store %arg15[%swap3A_854, %swap3A_855], %swap3A_858 {strides = array<i32>} : memref<8x128xf32, #tpu.memory_space<vmem>>, vector<1x16xf32>,
      %get3A_859 = arith.constant 4 : i32
      %get3A_860 = arith.index_cast %get3A_859 : i32 to index
      %get3A_861 = arith.constant 64 : index
      %get3A_862 = tpu.vector_load %arg12[%get3A_860, %get3A_861] {strides = array<i32>} : memref<8x128xf32, #tpu.memory_space<vmem>>, vector<1x16xf32>,
      %get3A_863 = vector.shape_cast %get3A_862 : vector<1x16xf32> to vector<16xf32>
      %get3A_864 = arith.constant 4 : i32
      %get3A_865 = arith.index_cast %get3A_864 : i32 to index
      %get3A_866 = arith.constant 64 : index
      %get3A_867 = tpu.vector_load %arg13[%get3A_865, %get3A_866] {strides = array<i32>} : memref<8x128xf32, #tpu.memory_space<vmem>>, vector<1x16xf32>,
      %get3A_868 = vector.shape_cast %get3A_867 : vector<1x16xf32> to vector<16xf32>
      %add3A_869 = arith.addf %get3A_863, %get3A_868 : vector<16xf32>
      %get3A_870 = arith.constant 4 : i32
      %get3A_871 = arith.index_cast %get3A_870 : i32 to index
      %get3A_872 = arith.constant 64 : index
      %get3A_873 = tpu.vector_load %arg14[%get3A_871, %get3A_872] {strides = array<i32>} : memref<8x128xf32, #tpu.memory_space<vmem>>, vector<1x16xf32>,
      %get3A_874 = vector.shape_cast %get3A_873 : vector<1x16xf32> to vector<16xf32>
      %add3A_875 = arith.addf %add3A_869, %get3A_874 : vector<16xf32>
      %swap3A_876 = arith.constant 4 : i32
      %swap3A_877 = arith.index_cast %swap3A_876 : i32 to index
      %swap3A_878 = arith.constant 64 : index
      %swap3A_879 = tpu.vector_load %arg15[%swap3A_877, %swap3A_878] {strides = array<i32>} : memref<8x128xf32, #tpu.memory_space<vmem>>, vector<1x16xf32>,
      %swap3A_880 = vector.shape_cast %swap3A_879 : vector<1x16xf32> to vector<16xf32>
      %swap3A_881 = vector.shape_cast %add3A_875 : vector<16xf32> to vector<1x16xf32>
      tpu.vector_store %arg15[%swap3A_877, %swap3A_878], %swap3A_881 {strides = array<i32>} : memref<8x128xf32, #tpu.memory_space<vmem>>, vector<1x16xf32>,
      %get3A_882 = arith.constant 4 : i32
      %get3A_883 = arith.index_cast %get3A_882 : i32 to index
      %get3A_884 = arith.constant 80 : index
      %get3A_885 = tpu.vector_load %arg12[%get3A_883, %get3A_884] {strides = array<i32>} : memref<8x128xf32, #tpu.memory_space<vmem>>, vector<1x16xf32>,
      %get3A_886 = vector.shape_cast %get3A_885 : vector<1x16xf32> to vector<16xf32>
      %get3A_887 = arith.constant 4 : i32
      %get3A_888 = arith.index_cast %get3A_887 : i32 to index
      %get3A_889 = arith.constant 80 : index
      %get3A_890 = tpu.vector_load %arg13[%get3A_888, %get3A_889] {strides = array<i32>} : memref<8x128xf32, #tpu.memory_space<vmem>>, vector<1x16xf32>,
      %get3A_891 = vector.shape_cast %get3A_890 : vector<1x16xf32> to vector<16xf32>
      %add3A_892 = arith.addf %get3A_886, %get3A_891 : vector<16xf32>
      %get3A_893 = arith.constant 4 : i32
      %get3A_894 = arith.index_cast %get3A_893 : i32 to index
      %get3A_895 = arith.constant 80 : index
      %get3A_896 = tpu.vector_load %arg14[%get3A_894, %get3A_895] {strides = array<i32>} : memref<8x128xf32, #tpu.memory_space<vmem>>, vector<1x16xf32>,
      %get3A_897 = vector.shape_cast %get3A_896 : vector<1x16xf32> to vector<16xf32>
      %add3A_898 = arith.addf %add3A_892, %get3A_897 : vector<16xf32>
      %swap3A_899 = arith.constant 4 : i32
      %swap3A_900 = arith.index_cast %swap3A_899 : i32 to index
      %swap3A_901 = arith.constant 80 : index
      %swap3A_902 = tpu.vector_load %arg15[%swap3A_900, %swap3A_901] {strides = array<i32>} : memref<8x128xf32, #tpu.memory_space<vmem>>, vector<1x16xf32>,
      %swap3A_903 = vector.shape_cast %swap3A_902 : vector<1x16xf32> to vector<16xf32>
      %swap3A_904 = vector.shape_cast %add3A_898 : vector<16xf32> to vector<1x16xf32>
      tpu.vector_store %arg15[%swap3A_900, %swap3A_901], %swap3A_904 {strides = array<i32>} : memref<8x128xf32, #tpu.memory_space<vmem>>, vector<1x16xf32>,
      %get3A_905 = arith.constant 4 : i32
      %get3A_906 = arith.index_cast %get3A_905 : i32 to index
      %get3A_907 = arith.constant 96 : index
      %get3A_908 = tpu.vector_load %arg12[%get3A_906, %get3A_907] {strides = array<i32>} : memref<8x128xf32, #tpu.memory_space<vmem>>, vector<1x16xf32>,
      %get3A_909 = vector.shape_cast %get3A_908 : vector<1x16xf32> to vector<16xf32>
      %get3A_910 = arith.constant 4 : i32
      %get3A_911 = arith.index_cast %get3A_910 : i32 to index
      %get3A_912 = arith.constant 96 : index
      %get3A_913 = tpu.vector_load %arg13[%get3A_911, %get3A_912] {strides = array<i32>} : memref<8x128xf32, #tpu.memory_space<vmem>>, vector<1x16xf32>,
      %get3A_914 = vector.shape_cast %get3A_913 : vector<1x16xf32> to vector<16xf32>
      %add3A_915 = arith.addf %get3A_909, %get3A_914 : vector<16xf32>
      %get3A_916 = arith.constant 4 : i32
      %get3A_917 = arith.index_cast %get3A_916 : i32 to index
      %get3A_918 = arith.constant 96 : index
      %get3A_919 = tpu.vector_load %arg14[%get3A_917, %get3A_918] {strides = array<i32>} : memref<8x128xf32, #tpu.memory_space<vmem>>, vector<1x16xf32>,
      %get3A_920 = vector.shape_cast %get3A_919 : vector<1x16xf32> to vector<16xf32>
      %add3A_921 = arith.addf %add3A_915, %get3A_920 : vector<16xf32>
      %swap3A_922 = arith.constant 4 : i32
      %swap3A_923 = arith.index_cast %swap3A_922 : i32 to index
      %swap3A_924 = arith.constant 96 : index
      %swap3A_925 = tpu.vector_load %arg15[%swap3A_923, %swap3A_924] {strides = array<i32>} : memref<8x128xf32, #tpu.memory_space<vmem>>, vector<1x16xf32>,
      %swap3A_926 = vector.shape_cast %swap3A_925 : vector<1x16xf32> to vector<16xf32>
      %swap3A_927 = vector.shape_cast %add3A_921 : vector<16xf32> to vector<1x16xf32>
      tpu.vector_store %arg15[%swap3A_923, %swap3A_924], %swap3A_927 {strides = array<i32>} : memref<8x128xf32, #tpu.memory_space<vmem>>, vector<1x16xf32>,
      %get3A_928 = arith.constant 4 : i32
      %get3A_929 = arith.index_cast %get3A_928 : i32 to index
      %get3A_930 = arith.constant 112 : index
      %get3A_931 = tpu.vector_load %arg12[%get3A_929, %get3A_930] {strides = array<i32>} : memref<8x128xf32, #tpu.memory_space<vmem>>, vector<1x16xf32>,
      %get3A_932 = vector.shape_cast %get3A_931 : vector<1x16xf32> to vector<16xf32>
      %get3A_933 = arith.constant 4 : i32
      %get3A_934 = arith.index_cast %get3A_933 : i32 to index
      %get3A_935 = arith.constant 112 : index
      %get3A_936 = tpu.vector_load %arg13[%get3A_934, %get3A_935] {strides = array<i32>} : memref<8x128xf32, #tpu.memory_space<vmem>>, vector<1x16xf32>,
      %get3A_937 = vector.shape_cast %get3A_936 : vector<1x16xf32> to vector<16xf32>
      %add3A_938 = arith.addf %get3A_932, %get3A_937 : vector<16xf32>
      %get3A_939 = arith.constant 4 : i32
      %get3A_940 = arith.index_cast %get3A_939 : i32 to index
      %get3A_941 = arith.constant 112 : index
      %get3A_942 = tpu.vector_load %arg14[%get3A_940, %get3A_941] {strides = array<i32>} : memref<8x128xf32, #tpu.memory_space<vmem>>, vector<1x16xf32>,
      %get3A_943 = vector.shape_cast %get3A_942 : vector<1x16xf32> to vector<16xf32>
      %add3A_944 = arith.addf %add3A_938, %get3A_943 : vector<16xf32>
      %swap3A_945 = arith.constant 4 : i32
      %swap3A_946 = arith.index_cast %swap3A_945 : i32 to index
      %swap3A_947 = arith.constant 112 : index
      %swap3A_948 = tpu.vector_load %arg15[%swap3A_946, %swap3A_947] {strides = array<i32>} : memref<8x128xf32, #tpu.memory_space<vmem>>, vector<1x16xf32>,
      %swap3A_949 = vector.shape_cast %swap3A_948 : vector<1x16xf32> to vector<16xf32>
      %swap3A_950 = vector.shape_cast %add3A_944 : vector<16xf32> to vector<1x16xf32>
      tpu.vector_store %arg15[%swap3A_946, %swap3A_947], %swap3A_950 {strides = array<i32>} : memref<8x128xf32, #tpu.memory_space<vmem>>, vector<1x16xf32>,
      %get3A_951 = arith.constant 5 : i32
      %get3A_952 = arith.index_cast %get3A_951 : i32 to index
      %get3A_953 = arith.constant 0 : index
      %get3A_954 = tpu.vector_load %arg12[%get3A_952, %get3A_953] {strides = array<i32>} : memref<8x128xf32, #tpu.memory_space<vmem>>, vector<1x16xf32>,
      %get3A_955 = vector.shape_cast %get3A_954 : vector<1x16xf32> to vector<16xf32>
      %get3A_956 = arith.constant 5 : i32
      %get3A_957 = arith.index_cast %get3A_956 : i32 to index
      %get3A_958 = arith.constant 0 : index
      %get3A_959 = tpu.vector_load %arg13[%get3A_957, %get3A_958] {strides = array<i32>} : memref<8x128xf32, #tpu.memory_space<vmem>>, vector<1x16xf32>,
      %get3A_960 = vector.shape_cast %get3A_959 : vector<1x16xf32> to vector<16xf32>
      %add3A_961 = arith.addf %get3A_955, %get3A_960 : vector<16xf32>
      %get3A_962 = arith.constant 5 : i32
      %get3A_963 = arith.index_cast %get3A_962 : i32 to index
      %get3A_964 = arith.constant 0 : index
      %get3A_965 = tpu.vector_load %arg14[%get3A_963, %get3A_964] {strides = array<i32>} : memref<8x128xf32, #tpu.memory_space<vmem>>, vector<1x16xf32>,
      %get3A_966 = vector.shape_cast %get3A_965 : vector<1x16xf32> to vector<16xf32>
      %add3A_967 = arith.addf %add3A_961, %get3A_966 : vector<16xf32>
      %swap3A_968 = arith.constant 5 : i32
      %swap3A_969 = arith.index_cast %swap3A_968 : i32 to index
      %swap3A_970 = arith.constant 0 : index
      %swap3A_971 = tpu.vector_load %arg15[%swap3A_969, %swap3A_970] {strides = array<i32>} : memref<8x128xf32, #tpu.memory_space<vmem>>, vector<1x16xf32>,
      %swap3A_972 = vector.shape_cast %swap3A_971 : vector<1x16xf32> to vector<16xf32>
      %swap3A_973 = vector.shape_cast %add3A_967 : vector<16xf32> to vector<1x16xf32>
      tpu.vector_store %arg15[%swap3A_969, %swap3A_970], %swap3A_973 {strides = array<i32>} : memref<8x128xf32, #tpu.memory_space<vmem>>, vector<1x16xf32>,
      %get3A_974 = arith.constant 5 : i32
      %get3A_975 = arith.index_cast %get3A_974 : i32 to index
      %get3A_976 = arith.constant 16 : index
      %get3A_977 = tpu.vector_load %arg12[%get3A_975, %get3A_976] {strides = array<i32>} : memref<8x128xf32, #tpu.memory_space<vmem>>, vector<1x16xf32>,
      %get3A_978 = vector.shape_cast %get3A_977 : vector<1x16xf32> to vector<16xf32>
      %get3A_979 = arith.constant 5 : i32
      %get3A_980 = arith.index_cast %get3A_979 : i32 to index
      %get3A_981 = arith.constant 16 : index
      %get3A_982 = tpu.vector_load %arg13[%get3A_980, %get3A_981] {strides = array<i32>} : memref<8x128xf32, #tpu.memory_space<vmem>>, vector<1x16xf32>,
      %get3A_983 = vector.shape_cast %get3A_982 : vector<1x16xf32> to vector<16xf32>
      %add3A_984 = arith.addf %get3A_978, %get3A_983 : vector<16xf32>
      %get3A_985 = arith.constant 5 : i32
      %get3A_986 = arith.index_cast %get3A_985 : i32 to index
      %get3A_987 = arith.constant 16 : index
      %get3A_988 = tpu.vector_load %arg14[%get3A_986, %get3A_987] {strides = array<i32>} : memref<8x128xf32, #tpu.memory_space<vmem>>, vector<1x16xf32>,
      %get3A_989 = vector.shape_cast %get3A_988 : vector<1x16xf32> to vector<16xf32>
      %add3A_990 = arith.addf %add3A_984, %get3A_989 : vector<16xf32>
      %swap3A_991 = arith.constant 5 : i32
      %swap3A_992 = arith.index_cast %swap3A_991 : i32 to index
      %swap3A_993 = arith.constant 16 : index
      %swap3A_994 = tpu.vector_load %arg15[%swap3A_992, %swap3A_993] {strides = array<i32>} : memref<8x128xf32, #tpu.memory_space<vmem>>, vector<1x16xf32>,
      %swap3A_995 = vector.shape_cast %swap3A_994 : vector<1x16xf32> to vector<16xf32>
      %swap3A_996 = vector.shape_cast %add3A_990 : vector<16xf32> to vector<1x16xf32>
      tpu.vector_store %arg15[%swap3A_992, %swap3A_993], %swap3A_996 {strides = array<i32>} : memref<8x128xf32, #tpu.memory_space<vmem>>, vector<1x16xf32>,
      %get3A_997 = arith.constant 5 : i32
      %get3A_998 = arith.index_cast %get3A_997 : i32 to index
      %get3A_999 = arith.constant 32 : index
      %get3A_1000 = tpu.vector_load %arg12[%get3A_998, %get3A_999] {strides = array<i32>} : memref<8x128xf32, #tpu.memory_space<vmem>>, vector<1x16xf32>,
      %get3A_1001 = vector.shape_cast %get3A_1000 : vector<1x16xf32> to vector<16xf32>
      %get3A_1002 = arith.constant 5 : i32
      %get3A_1003 = arith.index_cast %get3A_1002 : i32 to index
      %get3A_1004 = arith.constant 32 : index
      %get3A_1005 = tpu.vector_load %arg13[%get3A_1003, %get3A_1004] {strides = array<i32>} : memref<8x128xf32, #tpu.memory_space<vmem>>, vector<1x16xf32>,
      %get3A_1006 = vector.shape_cast %get3A_1005 : vector<1x16xf32> to vector<16xf32>
      %add3A_1007 = arith.addf %get3A_1001, %get3A_1006 : vector<16xf32>
      %get3A_1008 = arith.constant 5 : i32
      %get3A_1009 = arith.index_cast %get3A_1008 : i32 to index
      %get3A_1010 = arith.constant 32 : index
      %get3A_1011 = tpu.vector_load %arg14[%get3A_1009, %get3A_1010] {strides = array<i32>} : memref<8x128xf32, #tpu.memory_space<vmem>>, vector<1x16xf32>,
      %get3A_1012 = vector.shape_cast %get3A_1011 : vector<1x16xf32> to vector<16xf32>
      %add3A_1013 = arith.addf %add3A_1007, %get3A_1012 : vector<16xf32>
      %swap3A_1014 = arith.constant 5 : i32
      %swap3A_1015 = arith.index_cast %swap3A_1014 : i32 to index
      %swap3A_1016 = arith.constant 32 : index
      %swap3A_1017 = tpu.vector_load %arg15[%swap3A_1015, %swap3A_1016] {strides = array<i32>} : memref<8x128xf32, #tpu.memory_space<vmem>>, vector<1x16xf32>,
      %swap3A_1018 = vector.shape_cast %swap3A_1017 : vector<1x16xf32> to vector<16xf32>
      %swap3A_1019 = vector.shape_cast %add3A_1013 : vector<16xf32> to vector<1x16xf32>
      tpu.vector_store %arg15[%swap3A_1015, %swap3A_1016], %swap3A_1019 {strides = array<i32>} : memref<8x128xf32, #tpu.memory_space<vmem>>, vector<1x16xf32>,
      %get3A_1020 = arith.constant 5 : i32
      %get3A_1021 = arith.index_cast %get3A_1020 : i32 to index
      %get3A_1022 = arith.constant 48 : index
      %get3A_1023 = tpu.vector_load %arg12[%get3A_1021, %get3A_1022] {strides = array<i32>} : memref<8x128xf32, #tpu.memory_space<vmem>>, vector<1x16xf32>,
      %get3A_1024 = vector.shape_cast %get3A_1023 : vector<1x16xf32> to vector<16xf32>
      %get3A_1025 = arith.constant 5 : i32
      %get3A_1026 = arith.index_cast %get3A_1025 : i32 to index
      %get3A_1027 = arith.constant 48 : index
      %get3A_1028 = tpu.vector_load %arg13[%get3A_1026, %get3A_1027] {strides = array<i32>} : memref<8x128xf32, #tpu.memory_space<vmem>>, vector<1x16xf32>,
      %get3A_1029 = vector.shape_cast %get3A_1028 : vector<1x16xf32> to vector<16xf32>
      %add3A_1030 = arith.addf %get3A_1024, %get3A_1029 : vector<16xf32>
      %get3A_1031 = arith.constant 5 : i32
      %get3A_1032 = arith.index_cast %get3A_1031 : i32 to index
      %get3A_1033 = arith.constant 48 : index
      %get3A_1034 = tpu.vector_load %arg14[%get3A_1032, %get3A_1033] {strides = array<i32>} : memref<8x128xf32, #tpu.memory_space<vmem>>, vector<1x16xf32>,
      %get3A_1035 = vector.shape_cast %get3A_1034 : vector<1x16xf32> to vector<16xf32>
      %add3A_1036 = arith.addf %add3A_1030, %get3A_1035 : vector<16xf32>
      %swap3A_1037 = arith.constant 5 : i32
      %swap3A_1038 = arith.index_cast %swap3A_1037 : i32 to index
      %swap3A_1039 = arith.constant 48 : index
      %swap3A_1040 = tpu.vector_load %arg15[%swap3A_1038, %swap3A_1039] {strides = array<i32>} : memref<8x128xf32, #tpu.memory_space<vmem>>, vector<1x16xf32>,
      %swap3A_1041 = vector.shape_cast %swap3A_1040 : vector<1x16xf32> to vector<16xf32>
      %swap3A_1042 = vector.shape_cast %add3A_1036 : vector<16xf32> to vector<1x16xf32>
      tpu.vector_store %arg15[%swap3A_1038, %swap3A_1039], %swap3A_1042 {strides = array<i32>} : memref<8x128xf32, #tpu.memory_space<vmem>>, vector<1x16xf32>,
      %get3A_1043 = arith.constant 5 : i32
      %get3A_1044 = arith.index_cast %get3A_1043 : i32 to index
      %get3A_1045 = arith.constant 64 : index
      %get3A_1046 = tpu.vector_load %arg12[%get3A_1044, %get3A_1045] {strides = array<i32>} : memref<8x128xf32, #tpu.memory_space<vmem>>, vector<1x16xf32>,
      %get3A_1047 = vector.shape_cast %get3A_1046 : vector<1x16xf32> to vector<16xf32>
      %get3A_1048 = arith.constant 5 : i32
      %get3A_1049 = arith.index_cast %get3A_1048 : i32 to index
      %get3A_1050 = arith.constant 64 : index
      %get3A_1051 = tpu.vector_load %arg13[%get3A_1049, %get3A_1050] {strides = array<i32>} : memref<8x128xf32, #tpu.memory_space<vmem>>, vector<1x16xf32>,
      %get3A_1052 = vector.shape_cast %get3A_1051 : vector<1x16xf32> to vector<16xf32>
      %add3A_1053 = arith.addf %get3A_1047, %get3A_1052 : vector<16xf32>
      %get3A_1054 = arith.constant 5 : i32
      %get3A_1055 = arith.index_cast %get3A_1054 : i32 to index
      %get3A_1056 = arith.constant 64 : index
      %get3A_1057 = tpu.vector_load %arg14[%get3A_1055, %get3A_1056] {strides = array<i32>} : memref<8x128xf32, #tpu.memory_space<vmem>>, vector<1x16xf32>,
      %get3A_1058 = vector.shape_cast %get3A_1057 : vector<1x16xf32> to vector<16xf32>
      %add3A_1059 = arith.addf %add3A_1053, %get3A_1058 : vector<16xf32>
      %swap3A_1060 = arith.constant 5 : i32
      %swap3A_1061 = arith.index_cast %swap3A_1060 : i32 to index
      %swap3A_1062 = arith.constant 64 : index
      %swap3A_1063 = tpu.vector_load %arg15[%swap3A_1061, %swap3A_1062] {strides = array<i32>} : memref<8x128xf32, #tpu.memory_space<vmem>>, vector<1x16xf32>,
      %swap3A_1064 = vector.shape_cast %swap3A_1063 : vector<1x16xf32> to vector<16xf32>
      %swap3A_1065 = vector.shape_cast %add3A_1059 : vector<16xf32> to vector<1x16xf32>
      tpu.vector_store %arg15[%swap3A_1061, %swap3A_1062], %swap3A_1065 {strides = array<i32>} : memref<8x128xf32, #tpu.memory_space<vmem>>, vector<1x16xf32>,
      %get3A_1066 = arith.constant 5 : i32
      %get3A_1067 = arith.index_cast %get3A_1066 : i32 to index
      %get3A_1068 = arith.constant 80 : index
      %get3A_1069 = tpu.vector_load %arg12[%get3A_1067, %get3A_1068] {strides = array<i32>} : memref<8x128xf32, #tpu.memory_space<vmem>>, vector<1x16xf32>,
      %get3A_1070 = vector.shape_cast %get3A_1069 : vector<1x16xf32> to vector<16xf32>
      %get3A_1071 = arith.constant 5 : i32
      %get3A_1072 = arith.index_cast %get3A_1071 : i32 to index
      %get3A_1073 = arith.constant 80 : index
      %get3A_1074 = tpu.vector_load %arg13[%get3A_1072, %get3A_1073] {strides = array<i32>} : memref<8x128xf32, #tpu.memory_space<vmem>>, vector<1x16xf32>,
      %get3A_1075 = vector.shape_cast %get3A_1074 : vector<1x16xf32> to vector<16xf32>
      %add3A_1076 = arith.addf %get3A_1070, %get3A_1075 : vector<16xf32>
      %get3A_1077 = arith.constant 5 : i32
      %get3A_1078 = arith.index_cast %get3A_1077 : i32 to index
      %get3A_1079 = arith.constant 80 : index
      %get3A_1080 = tpu.vector_load %arg14[%get3A_1078, %get3A_1079] {strides = array<i32>} : memref<8x128xf32, #tpu.memory_space<vmem>>, vector<1x16xf32>,
      %get3A_1081 = vector.shape_cast %get3A_1080 : vector<1x16xf32> to vector<16xf32>
      %add3A_1082 = arith.addf %add3A_1076, %get3A_1081 : vector<16xf32>
      %swap3A_1083 = arith.constant 5 : i32
      %swap3A_1084 = arith.index_cast %swap3A_1083 : i32 to index
      %swap3A_1085 = arith.constant 80 : index
      %swap3A_1086 = tpu.vector_load %arg15[%swap3A_1084, %swap3A_1085] {strides = array<i32>} : memref<8x128xf32, #tpu.memory_space<vmem>>, vector<1x16xf32>,
      %swap3A_1087 = vector.shape_cast %swap3A_1086 : vector<1x16xf32> to vector<16xf32>
      %swap3A_1088 = vector.shape_cast %add3A_1082 : vector<16xf32> to vector<1x16xf32>
      tpu.vector_store %arg15[%swap3A_1084, %swap3A_1085], %swap3A_1088 {strides = array<i32>} : memref<8x128xf32, #tpu.memory_space<vmem>>, vector<1x16xf32>,
      %get3A_1089 = arith.constant 5 : i32
      %get3A_1090 = arith.index_cast %get3A_1089 : i32 to index
      %get3A_1091 = arith.constant 96 : index
      %get3A_1092 = tpu.vector_load %arg12[%get3A_1090, %get3A_1091] {strides = array<i32>} : memref<8x128xf32, #tpu.memory_space<vmem>>, vector<1x16xf32>,
      %get3A_1093 = vector.shape_cast %get3A_1092 : vector<1x16xf32> to vector<16xf32>
      %get3A_1094 = arith.constant 5 : i32
      %get3A_1095 = arith.index_cast %get3A_1094 : i32 to index
      %get3A_1096 = arith.constant 96 : index
      %get3A_1097 = tpu.vector_load %arg13[%get3A_1095, %get3A_1096] {strides = array<i32>} : memref<8x128xf32, #tpu.memory_space<vmem>>, vector<1x16xf32>,
      %get3A_1098 = vector.shape_cast %get3A_1097 : vector<1x16xf32> to vector<16xf32>
      %add3A_1099 = arith.addf %get3A_1093, %get3A_1098 : vector<16xf32>
      %get3A_1100 = arith.constant 5 : i32
      %get3A_1101 = arith.index_cast %get3A_1100 : i32 to index
      %get3A_1102 = arith.constant 96 : index
      %get3A_1103 = tpu.vector_load %arg14[%get3A_1101, %get3A_1102] {strides = array<i32>} : memref<8x128xf32, #tpu.memory_space<vmem>>, vector<1x16xf32>,
      %get3A_1104 = vector.shape_cast %get3A_1103 : vector<1x16xf32> to vector<16xf32>
      %add3A_1105 = arith.addf %add3A_1099, %get3A_1104 : vector<16xf32>
      %swap3A_1106 = arith.constant 5 : i32
      %swap3A_1107 = arith.index_cast %swap3A_1106 : i32 to index
      %swap3A_1108 = arith.constant 96 : index
      %swap3A_1109 = tpu.vector_load %arg15[%swap3A_1107, %swap3A_1108] {strides = array<i32>} : memref<8x128xf32, #tpu.memory_space<vmem>>, vector<1x16xf32>,
      %swap3A_1110 = vector.shape_cast %swap3A_1109 : vector<1x16xf32> to vector<16xf32>
      %swap3A_1111 = vector.shape_cast %add3A_1105 : vector<16xf32> to vector<1x16xf32>
      tpu.vector_store %arg15[%swap3A_1107, %swap3A_1108], %swap3A_1111 {strides = array<i32>} : memref<8x128xf32, #tpu.memory_space<vmem>>, vector<1x16xf32>,
      %get3A_1112 = arith.constant 5 : i32
      %get3A_1113 = arith.index_cast %get3A_1112 : i32 to index
      %get3A_1114 = arith.constant 112 : index
      %get3A_1115 = tpu.vector_load %arg12[%get3A_1113, %get3A_1114] {strides = array<i32>} : memref<8x128xf32, #tpu.memory_space<vmem>>, vector<1x16xf32>,
      %get3A_1116 = vector.shape_cast %get3A_1115 : vector<1x16xf32> to vector<16xf32>
      %get3A_1117 = arith.constant 5 : i32
      %get3A_1118 = arith.index_cast %get3A_1117 : i32 to index
      %get3A_1119 = arith.constant 112 : index
      %get3A_1120 = tpu.vector_load %arg13[%get3A_1118, %get3A_1119] {strides = array<i32>} : memref<8x128xf32, #tpu.memory_space<vmem>>, vector<1x16xf32>,
      %get3A_1121 = vector.shape_cast %get3A_1120 : vector<1x16xf32> to vector<16xf32>
      %add3A_1122 = arith.addf %get3A_1116, %get3A_1121 : vector<16xf32>
      %get3A_1123 = arith.constant 5 : i32
      %get3A_1124 = arith.index_cast %get3A_1123 : i32 to index
      %get3A_1125 = arith.constant 112 : index
      %get3A_1126 = tpu.vector_load %arg14[%get3A_1124, %get3A_1125] {strides = array<i32>} : memref<8x128xf32, #tpu.memory_space<vmem>>, vector<1x16xf32>,
      %get3A_1127 = vector.shape_cast %get3A_1126 : vector<1x16xf32> to vector<16xf32>
      %add3A_1128 = arith.addf %add3A_1122, %get3A_1127 : vector<16xf32>
      %swap3A_1129 = arith.constant 5 : i32
      %swap3A_1130 = arith.index_cast %swap3A_1129 : i32 to index
      %swap3A_1131 = arith.constant 112 : index
      %swap3A_1132 = tpu.vector_load %arg15[%swap3A_1130, %swap3A_1131] {strides = array<i32>} : memref<8x128xf32, #tpu.memory_space<vmem>>, vector<1x16xf32>,
      %swap3A_1133 = vector.shape_cast %swap3A_1132 : vector<1x16xf32> to vector<16xf32>
      %swap3A_1134 = vector.shape_cast %add3A_1128 : vector<16xf32> to vector<1x16xf32>
      tpu.vector_store %arg15[%swap3A_1130, %swap3A_1131], %swap3A_1134 {strides = array<i32>} : memref<8x128xf32, #tpu.memory_space<vmem>>, vector<1x16xf32>,
      %get3A_1135 = arith.constant 6 : i32
      %get3A_1136 = arith.index_cast %get3A_1135 : i32 to index
      %get3A_1137 = arith.constant 0 : index
      %get3A_1138 = tpu.vector_load %arg12[%get3A_1136, %get3A_1137] {strides = array<i32>} : memref<8x128xf32, #tpu.memory_space<vmem>>, vector<1x16xf32>,
      %get3A_1139 = vector.shape_cast %get3A_1138 : vector<1x16xf32> to vector<16xf32>
      %get3A_1140 = arith.constant 6 : i32
      %get3A_1141 = arith.index_cast %get3A_1140 : i32 to index
      %get3A_1142 = arith.constant 0 : index
      %get3A_1143 = tpu.vector_load %arg13[%get3A_1141, %get3A_1142] {strides = array<i32>} : memref<8x128xf32, #tpu.memory_space<vmem>>, vector<1x16xf32>,
      %get3A_1144 = vector.shape_cast %get3A_1143 : vector<1x16xf32> to vector<16xf32>
      %add3A_1145 = arith.addf %get3A_1139, %get3A_1144 : vector<16xf32>
      %get3A_1146 = arith.constant 6 : i32
      %get3A_1147 = arith.index_cast %get3A_1146 : i32 to index
      %get3A_1148 = arith.constant 0 : index
      %get3A_1149 = tpu.vector_load %arg14[%get3A_1147, %get3A_1148] {strides = array<i32>} : memref<8x128xf32, #tpu.memory_space<vmem>>, vector<1x16xf32>,
      %get3A_1150 = vector.shape_cast %get3A_1149 : vector<1x16xf32> to vector<16xf32>
      %add3A_1151 = arith.addf %add3A_1145, %get3A_1150 : vector<16xf32>
      %swap3A_1152 = arith.constant 6 : i32
      %swap3A_1153 = arith.index_cast %swap3A_1152 : i32 to index
      %swap3A_1154 = arith.constant 0 : index
      %swap3A_1155 = tpu.vector_load %arg15[%swap3A_1153, %swap3A_1154] {strides = array<i32>} : memref<8x128xf32, #tpu.memory_space<vmem>>, vector<1x16xf32>,
      %swap3A_1156 = vector.shape_cast %swap3A_1155 : vector<1x16xf32> to vector<16xf32>
      %swap3A_1157 = vector.shape_cast %add3A_1151 : vector<16xf32> to vector<1x16xf32>
      tpu.vector_store %arg15[%swap3A_1153, %swap3A_1154], %swap3A_1157 {strides = array<i32>} : memref<8x128xf32, #tpu.memory_space<vmem>>, vector<1x16xf32>,
      %get3A_1158 = arith.constant 6 : i32
      %get3A_1159 = arith.index_cast %get3A_1158 : i32 to index
      %get3A_1160 = arith.constant 16 : index
      %get3A_1161 = tpu.vector_load %arg12[%get3A_1159, %get3A_1160] {strides = array<i32>} : memref<8x128xf32, #tpu.memory_space<vmem>>, vector<1x16xf32>,
      %get3A_1162 = vector.shape_cast %get3A_1161 : vector<1x16xf32> to vector<16xf32>
      %get3A_1163 = arith.constant 6 : i32
      %get3A_1164 = arith.index_cast %get3A_1163 : i32 to index
      %get3A_1165 = arith.constant 16 : index
      %get3A_1166 = tpu.vector_load %arg13[%get3A_1164, %get3A_1165] {strides = array<i32>} : memref<8x128xf32, #tpu.memory_space<vmem>>, vector<1x16xf32>,
      %get3A_1167 = vector.shape_cast %get3A_1166 : vector<1x16xf32> to vector<16xf32>
      %add3A_1168 = arith.addf %get3A_1162, %get3A_1167 : vector<16xf32>
      %get3A_1169 = arith.constant 6 : i32
      %get3A_1170 = arith.index_cast %get3A_1169 : i32 to index
      %get3A_1171 = arith.constant 16 : index
      %get3A_1172 = tpu.vector_load %arg14[%get3A_1170, %get3A_1171] {strides = array<i32>} : memref<8x128xf32, #tpu.memory_space<vmem>>, vector<1x16xf32>,
      %get3A_1173 = vector.shape_cast %get3A_1172 : vector<1x16xf32> to vector<16xf32>
      %add3A_1174 = arith.addf %add3A_1168, %get3A_1173 : vector<16xf32>
      %swap3A_1175 = arith.constant 6 : i32
      %swap3A_1176 = arith.index_cast %swap3A_1175 : i32 to index
      %swap3A_1177 = arith.constant 16 : index
      %swap3A_1178 = tpu.vector_load %arg15[%swap3A_1176, %swap3A_1177] {strides = array<i32>} : memref<8x128xf32, #tpu.memory_space<vmem>>, vector<1x16xf32>,
      %swap3A_1179 = vector.shape_cast %swap3A_1178 : vector<1x16xf32> to vector<16xf32>
      %swap3A_1180 = vector.shape_cast %add3A_1174 : vector<16xf32> to vector<1x16xf32>
      tpu.vector_store %arg15[%swap3A_1176, %swap3A_1177], %swap3A_1180 {strides = array<i32>} : memref<8x128xf32, #tpu.memory_space<vmem>>, vector<1x16xf32>,
      %get3A_1181 = arith.constant 6 : i32
      %get3A_1182 = arith.index_cast %get3A_1181 : i32 to index
      %get3A_1183 = arith.constant 32 : index
      %get3A_1184 = tpu.vector_load %arg12[%get3A_1182, %get3A_1183] {strides = array<i32>} : memref<8x128xf32, #tpu.memory_space<vmem>>, vector<1x16xf32>,
      %get3A_1185 = vector.shape_cast %get3A_1184 : vector<1x16xf32> to vector<16xf32>
      %get3A_1186 = arith.constant 6 : i32
      %get3A_1187 = arith.index_cast %get3A_1186 : i32 to index
      %get3A_1188 = arith.constant 32 : index
      %get3A_1189 = tpu.vector_load %arg13[%get3A_1187, %get3A_1188] {strides = array<i32>} : memref<8x128xf32, #tpu.memory_space<vmem>>, vector<1x16xf32>,
      %get3A_1190 = vector.shape_cast %get3A_1189 : vector<1x16xf32> to vector<16xf32>
      %add3A_1191 = arith.addf %get3A_1185, %get3A_1190 : vector<16xf32>
      %get3A_1192 = arith.constant 6 : i32
      %get3A_1193 = arith.index_cast %get3A_1192 : i32 to index
      %get3A_1194 = arith.constant 32 : index
      %get3A_1195 = tpu.vector_load %arg14[%get3A_1193, %get3A_1194] {strides = array<i32>} : memref<8x128xf32, #tpu.memory_space<vmem>>, vector<1x16xf32>,
      %get3A_1196 = vector.shape_cast %get3A_1195 : vector<1x16xf32> to vector<16xf32>
      %add3A_1197 = arith.addf %add3A_1191, %get3A_1196 : vector<16xf32>
      %swap3A_1198 = arith.constant 6 : i32
      %swap3A_1199 = arith.index_cast %swap3A_1198 : i32 to index
      %swap3A_1200 = arith.constant 32 : index
      %swap3A_1201 = tpu.vector_load %arg15[%swap3A_1199, %swap3A_1200] {strides = array<i32>} : memref<8x128xf32, #tpu.memory_space<vmem>>, vector<1x16xf32>,
      %swap3A_1202 = vector.shape_cast %swap3A_1201 : vector<1x16xf32> to vector<16xf32>
      %swap3A_1203 = vector.shape_cast %add3A_1197 : vector<16xf32> to vector<1x16xf32>
      tpu.vector_store %arg15[%swap3A_1199, %swap3A_1200], %swap3A_1203 {strides = array<i32>} : memref<8x128xf32, #tpu.memory_space<vmem>>, vector<1x16xf32>,
      %get3A_1204 = arith.constant 6 : i32
      %get3A_1205 = arith.index_cast %get3A_1204 : i32 to index
      %get3A_1206 = arith.constant 48 : index
      %get3A_1207 = tpu.vector_load %arg12[%get3A_1205, %get3A_1206] {strides = array<i32>} : memref<8x128xf32, #tpu.memory_space<vmem>>, vector<1x16xf32>,
      %get3A_1208 = vector.shape_cast %get3A_1207 : vector<1x16xf32> to vector<16xf32>
      %get3A_1209 = arith.constant 6 : i32
      %get3A_1210 = arith.index_cast %get3A_1209 : i32 to index
      %get3A_1211 = arith.constant 48 : index
      %get3A_1212 = tpu.vector_load %arg13[%get3A_1210, %get3A_1211] {strides = array<i32>} : memref<8x128xf32, #tpu.memory_space<vmem>>, vector<1x16xf32>,
      %get3A_1213 = vector.shape_cast %get3A_1212 : vector<1x16xf32> to vector<16xf32>
      %add3A_1214 = arith.addf %get3A_1208, %get3A_1213 : vector<16xf32>
      %get3A_1215 = arith.constant 6 : i32
      %get3A_1216 = arith.index_cast %get3A_1215 : i32 to index
      %get3A_1217 = arith.constant 48 : index
      %get3A_1218 = tpu.vector_load %arg14[%get3A_1216, %get3A_1217] {strides = array<i32>} : memref<8x128xf32, #tpu.memory_space<vmem>>, vector<1x16xf32>,
      %get3A_1219 = vector.shape_cast %get3A_1218 : vector<1x16xf32> to vector<16xf32>
      %add3A_1220 = arith.addf %add3A_1214, %get3A_1219 : vector<16xf32>
      %swap3A_1221 = arith.constant 6 : i32
      %swap3A_1222 = arith.index_cast %swap3A_1221 : i32 to index
      %swap3A_1223 = arith.constant 48 : index
      %swap3A_1224 = tpu.vector_load %arg15[%swap3A_1222, %swap3A_1223] {strides = array<i32>} : memref<8x128xf32, #tpu.memory_space<vmem>>, vector<1x16xf32>,
      %swap3A_1225 = vector.shape_cast %swap3A_1224 : vector<1x16xf32> to vector<16xf32>
      %swap3A_1226 = vector.shape_cast %add3A_1220 : vector<16xf32> to vector<1x16xf32>
      tpu.vector_store %arg15[%swap3A_1222, %swap3A_1223], %swap3A_1226 {strides = array<i32>} : memref<8x128xf32, #tpu.memory_space<vmem>>, vector<1x16xf32>,
      %get3A_1227 = arith.constant 6 : i32
      %get3A_1228 = arith.index_cast %get3A_1227 : i32 to index
      %get3A_1229 = arith.constant 64 : index
      %get3A_1230 = tpu.vector_load %arg12[%get3A_1228, %get3A_1229] {strides = array<i32>} : memref<8x128xf32, #tpu.memory_space<vmem>>, vector<1x16xf32>,
      %get3A_1231 = vector.shape_cast %get3A_1230 : vector<1x16xf32> to vector<16xf32>
      %get3A_1232 = arith.constant 6 : i32
      %get3A_1233 = arith.index_cast %get3A_1232 : i32 to index
      %get3A_1234 = arith.constant 64 : index
      %get3A_1235 = tpu.vector_load %arg13[%get3A_1233, %get3A_1234] {strides = array<i32>} : memref<8x128xf32, #tpu.memory_space<vmem>>, vector<1x16xf32>,
      %get3A_1236 = vector.shape_cast %get3A_1235 : vector<1x16xf32> to vector<16xf32>
      %add3A_1237 = arith.addf %get3A_1231, %get3A_1236 : vector<16xf32>
      %get3A_1238 = arith.constant 6 : i32
      %get3A_1239 = arith.index_cast %get3A_1238 : i32 to index
      %get3A_1240 = arith.constant 64 : index
      %get3A_1241 = tpu.vector_load %arg14[%get3A_1239, %get3A_1240] {strides = array<i32>} : memref<8x128xf32, #tpu.memory_space<vmem>>, vector<1x16xf32>,
      %get3A_1242 = vector.shape_cast %get3A_1241 : vector<1x16xf32> to vector<16xf32>
      %add3A_1243 = arith.addf %add3A_1237, %get3A_1242 : vector<16xf32>
      %swap3A_1244 = arith.constant 6 : i32
      %swap3A_1245 = arith.index_cast %swap3A_1244 : i32 to index
      %swap3A_1246 = arith.constant 64 : index
      %swap3A_1247 = tpu.vector_load %arg15[%swap3A_1245, %swap3A_1246] {strides = array<i32>} : memref<8x128xf32, #tpu.memory_space<vmem>>, vector<1x16xf32>,
      %swap3A_1248 = vector.shape_cast %swap3A_1247 : vector<1x16xf32> to vector<16xf32>
      %swap3A_1249 = vector.shape_cast %add3A_1243 : vector<16xf32> to vector<1x16xf32>
      tpu.vector_store %arg15[%swap3A_1245, %swap3A_1246], %swap3A_1249 {strides = array<i32>} : memref<8x128xf32, #tpu.memory_space<vmem>>, vector<1x16xf32>,
      %get3A_1250 = arith.constant 6 : i32
      %get3A_1251 = arith.index_cast %get3A_1250 : i32 to index
      %get3A_1252 = arith.constant 80 : index
      %get3A_1253 = tpu.vector_load %arg12[%get3A_1251, %get3A_1252] {strides = array<i32>} : memref<8x128xf32, #tpu.memory_space<vmem>>, vector<1x16xf32>,
      %get3A_1254 = vector.shape_cast %get3A_1253 : vector<1x16xf32> to vector<16xf32>
      %get3A_1255 = arith.constant 6 : i32
      %get3A_1256 = arith.index_cast %get3A_1255 : i32 to index
      %get3A_1257 = arith.constant 80 : index
      %get3A_1258 = tpu.vector_load %arg13[%get3A_1256, %get3A_1257] {strides = array<i32>} : memref<8x128xf32, #tpu.memory_space<vmem>>, vector<1x16xf32>,
      %get3A_1259 = vector.shape_cast %get3A_1258 : vector<1x16xf32> to vector<16xf32>
      %add3A_1260 = arith.addf %get3A_1254, %get3A_1259 : vector<16xf32>
      %get3A_1261 = arith.constant 6 : i32
      %get3A_1262 = arith.index_cast %get3A_1261 : i32 to index
      %get3A_1263 = arith.constant 80 : index
      %get3A_1264 = tpu.vector_load %arg14[%get3A_1262, %get3A_1263] {strides = array<i32>} : memref<8x128xf32, #tpu.memory_space<vmem>>, vector<1x16xf32>,
      %get3A_1265 = vector.shape_cast %get3A_1264 : vector<1x16xf32> to vector<16xf32>
      %add3A_1266 = arith.addf %add3A_1260, %get3A_1265 : vector<16xf32>
      %swap3A_1267 = arith.constant 6 : i32
      %swap3A_1268 = arith.index_cast %swap3A_1267 : i32 to index
      %swap3A_1269 = arith.constant 80 : index
      %swap3A_1270 = tpu.vector_load %arg15[%swap3A_1268, %swap3A_1269] {strides = array<i32>} : memref<8x128xf32, #tpu.memory_space<vmem>>, vector<1x16xf32>,
      %swap3A_1271 = vector.shape_cast %swap3A_1270 : vector<1x16xf32> to vector<16xf32>
      %swap3A_1272 = vector.shape_cast %add3A_1266 : vector<16xf32> to vector<1x16xf32>
      tpu.vector_store %arg15[%swap3A_1268, %swap3A_1269], %swap3A_1272 {strides = array<i32>} : memref<8x128xf32, #tpu.memory_space<vmem>>, vector<1x16xf32>,
      %get3A_1273 = arith.constant 6 : i32
      %get3A_1274 = arith.index_cast %get3A_1273 : i32 to index
      %get3A_1275 = arith.constant 96 : index
      %get3A_1276 = tpu.vector_load %arg12[%get3A_1274, %get3A_1275] {strides = array<i32>} : memref<8x128xf32, #tpu.memory_space<vmem>>, vector<1x16xf32>,
      %get3A_1277 = vector.shape_cast %get3A_1276 : vector<1x16xf32> to vector<16xf32>
      %get3A_1278 = arith.constant 6 : i32
      %get3A_1279 = arith.index_cast %get3A_1278 : i32 to index
      %get3A_1280 = arith.constant 96 : index
      %get3A_1281 = tpu.vector_load %arg13[%get3A_1279, %get3A_1280] {strides = array<i32>} : memref<8x128xf32, #tpu.memory_space<vmem>>, vector<1x16xf32>,
      %get3A_1282 = vector.shape_cast %get3A_1281 : vector<1x16xf32> to vector<16xf32>
      %add3A_1283 = arith.addf %get3A_1277, %get3A_1282 : vector<16xf32>
      %get3A_1284 = arith.constant 6 : i32
      %get3A_1285 = arith.index_cast %get3A_1284 : i32 to index
      %get3A_1286 = arith.constant 96 : index
      %get3A_1287 = tpu.vector_load %arg14[%get3A_1285, %get3A_1286] {strides = array<i32>} : memref<8x128xf32, #tpu.memory_space<vmem>>, vector<1x16xf32>,
      %get3A_1288 = vector.shape_cast %get3A_1287 : vector<1x16xf32> to vector<16xf32>
      %add3A_1289 = arith.addf %add3A_1283, %get3A_1288 : vector<16xf32>
      %swap3A_1290 = arith.constant 6 : i32
      %swap3A_1291 = arith.index_cast %swap3A_1290 : i32 to index
      %swap3A_1292 = arith.constant 96 : index
      %swap3A_1293 = tpu.vector_load %arg15[%swap3A_1291, %swap3A_1292] {strides = array<i32>} : memref<8x128xf32, #tpu.memory_space<vmem>>, vector<1x16xf32>,
      %swap3A_1294 = vector.shape_cast %swap3A_1293 : vector<1x16xf32> to vector<16xf32>
      %swap3A_1295 = vector.shape_cast %add3A_1289 : vector<16xf32> to vector<1x16xf32>
      tpu.vector_store %arg15[%swap3A_1291, %swap3A_1292], %swap3A_1295 {strides = array<i32>} : memref<8x128xf32, #tpu.memory_space<vmem>>, vector<1x16xf32>,
      %get3A_1296 = arith.constant 6 : i32
      %get3A_1297 = arith.index_cast %get3A_1296 : i32 to index
      %get3A_1298 = arith.constant 112 : index
      %get3A_1299 = tpu.vector_load %arg12[%get3A_1297, %get3A_1298] {strides = array<i32>} : memref<8x128xf32, #tpu.memory_space<vmem>>, vector<1x16xf32>,
      %get3A_1300 = vector.shape_cast %get3A_1299 : vector<1x16xf32> to vector<16xf32>
      %get3A_1301 = arith.constant 6 : i32
      %get3A_1302 = arith.index_cast %get3A_1301 : i32 to index
      %get3A_1303 = arith.constant 112 : index
      %get3A_1304 = tpu.vector_load %arg13[%get3A_1302, %get3A_1303] {strides = array<i32>} : memref<8x128xf32, #tpu.memory_space<vmem>>, vector<1x16xf32>,
      %get3A_1305 = vector.shape_cast %get3A_1304 : vector<1x16xf32> to vector<16xf32>
      %add3A_1306 = arith.addf %get3A_1300, %get3A_1305 : vector<16xf32>
      %get3A_1307 = arith.constant 6 : i32
      %get3A_1308 = arith.index_cast %get3A_1307 : i32 to index
      %get3A_1309 = arith.constant 112 : index
      %get3A_1310 = tpu.vector_load %arg14[%get3A_1308, %get3A_1309] {strides = array<i32>} : memref<8x128xf32, #tpu.memory_space<vmem>>, vector<1x16xf32>,
      %get3A_1311 = vector.shape_cast %get3A_1310 : vector<1x16xf32> to vector<16xf32>
      %add3A_1312 = arith.addf %add3A_1306, %get3A_1311 : vector<16xf32>
      %swap3A_1313 = arith.constant 6 : i32
      %swap3A_1314 = arith.index_cast %swap3A_1313 : i32 to index
      %swap3A_1315 = arith.constant 112 : index
      %swap3A_1316 = tpu.vector_load %arg15[%swap3A_1314, %swap3A_1315] {strides = array<i32>} : memref<8x128xf32, #tpu.memory_space<vmem>>, vector<1x16xf32>,
      %swap3A_1317 = vector.shape_cast %swap3A_1316 : vector<1x16xf32> to vector<16xf32>
      %swap3A_1318 = vector.shape_cast %add3A_1312 : vector<16xf32> to vector<1x16xf32>
      tpu.vector_store %arg15[%swap3A_1314, %swap3A_1315], %swap3A_1318 {strides = array<i32>} : memref<8x128xf32, #tpu.memory_space<vmem>>, vector<1x16xf32>,
      %get3A_1319 = arith.constant 7 : i32
      %get3A_1320 = arith.index_cast %get3A_1319 : i32 to index
      %get3A_1321 = arith.constant 0 : index
      %get3A_1322 = tpu.vector_load %arg12[%get3A_1320, %get3A_1321] {strides = array<i32>} : memref<8x128xf32, #tpu.memory_space<vmem>>, vector<1x16xf32>,
      %get3A_1323 = vector.shape_cast %get3A_1322 : vector<1x16xf32> to vector<16xf32>
      %get3A_1324 = arith.constant 7 : i32
      %get3A_1325 = arith.index_cast %get3A_1324 : i32 to index
      %get3A_1326 = arith.constant 0 : index
      %get3A_1327 = tpu.vector_load %arg13[%get3A_1325, %get3A_1326] {strides = array<i32>} : memref<8x128xf32, #tpu.memory_space<vmem>>, vector<1x16xf32>,
      %get3A_1328 = vector.shape_cast %get3A_1327 : vector<1x16xf32> to vector<16xf32>
      %add3A_1329 = arith.addf %get3A_1323, %get3A_1328 : vector<16xf32>
      %get3A_1330 = arith.constant 7 : i32
      %get3A_1331 = arith.index_cast %get3A_1330 : i32 to index
      %get3A_1332 = arith.constant 0 : index
      %get3A_1333 = tpu.vector_load %arg14[%get3A_1331, %get3A_1332] {strides = array<i32>} : memref<8x128xf32, #tpu.memory_space<vmem>>, vector<1x16xf32>,
      %get3A_1334 = vector.shape_cast %get3A_1333 : vector<1x16xf32> to vector<16xf32>
      %add3A_1335 = arith.addf %add3A_1329, %get3A_1334 : vector<16xf32>
      %swap3A_1336 = arith.constant 7 : i32
      %swap3A_1337 = arith.index_cast %swap3A_1336 : i32 to index
      %swap3A_1338 = arith.constant 0 : index
      %swap3A_1339 = tpu.vector_load %arg15[%swap3A_1337, %swap3A_1338] {strides = array<i32>} : memref<8x128xf32, #tpu.memory_space<vmem>>, vector<1x16xf32>,
      %swap3A_1340 = vector.shape_cast %swap3A_1339 : vector<1x16xf32> to vector<16xf32>
      %swap3A_1341 = vector.shape_cast %add3A_1335 : vector<16xf32> to vector<1x16xf32>
      tpu.vector_store %arg15[%swap3A_1337, %swap3A_1338], %swap3A_1341 {strides = array<i32>} : memref<8x128xf32, #tpu.memory_space<vmem>>, vector<1x16xf32>,
      %get3A_1342 = arith.constant 7 : i32
      %get3A_1343 = arith.index_cast %get3A_1342 : i32 to index
      %get3A_1344 = arith.constant 16 : index
      %get3A_1345 = tpu.vector_load %arg12[%get3A_1343, %get3A_1344] {strides = array<i32>} : memref<8x128xf32, #tpu.memory_space<vmem>>, vector<1x16xf32>,
      %get3A_1346 = vector.shape_cast %get3A_1345 : vector<1x16xf32> to vector<16xf32>
      %get3A_1347 = arith.constant 7 : i32
      %get3A_1348 = arith.index_cast %get3A_1347 : i32 to index
      %get3A_1349 = arith.constant 16 : index
      %get3A_1350 = tpu.vector_load %arg13[%get3A_1348, %get3A_1349] {strides = array<i32>} : memref<8x128xf32, #tpu.memory_space<vmem>>, vector<1x16xf32>,
      %get3A_1351 = vector.shape_cast %get3A_1350 : vector<1x16xf32> to vector<16xf32>
      %add3A_1352 = arith.addf %get3A_1346, %get3A_1351 : vector<16xf32>
      %get3A_1353 = arith.constant 7 : i32
      %get3A_1354 = arith.index_cast %get3A_1353 : i32 to index
      %get3A_1355 = arith.constant 16 : index
      %get3A_1356 = tpu.vector_load %arg14[%get3A_1354, %get3A_1355] {strides = array<i32>} : memref<8x128xf32, #tpu.memory_space<vmem>>, vector<1x16xf32>,
      %get3A_1357 = vector.shape_cast %get3A_1356 : vector<1x16xf32> to vector<16xf32>
      %add3A_1358 = arith.addf %add3A_1352, %get3A_1357 : vector<16xf32>
      %swap3A_1359 = arith.constant 7 : i32
      %swap3A_1360 = arith.index_cast %swap3A_1359 : i32 to index
      %swap3A_1361 = arith.constant 16 : index
      %swap3A_1362 = tpu.vector_load %arg15[%swap3A_1360, %swap3A_1361] {strides = array<i32>} : memref<8x128xf32, #tpu.memory_space<vmem>>, vector<1x16xf32>,
      %swap3A_1363 = vector.shape_cast %swap3A_1362 : vector<1x16xf32> to vector<16xf32>
      %swap3A_1364 = vector.shape_cast %add3A_1358 : vector<16xf32> to vector<1x16xf32>
      tpu.vector_store %arg15[%swap3A_1360, %swap3A_1361], %swap3A_1364 {strides = array<i32>} : memref<8x128xf32, #tpu.memory_space<vmem>>, vector<1x16xf32>,
      %get3A_1365 = arith.constant 7 : i32
      %get3A_1366 = arith.index_cast %get3A_1365 : i32 to index
      %get3A_1367 = arith.constant 32 : index
      %get3A_1368 = tpu.vector_load %arg12[%get3A_1366, %get3A_1367] {strides = array<i32>} : memref<8x128xf32, #tpu.memory_space<vmem>>, vector<1x16xf32>,
      %get3A_1369 = vector.shape_cast %get3A_1368 : vector<1x16xf32> to vector<16xf32>
      %get3A_1370 = arith.constant 7 : i32
      %get3A_1371 = arith.index_cast %get3A_1370 : i32 to index
      %get3A_1372 = arith.constant 32 : index
      %get3A_1373 = tpu.vector_load %arg13[%get3A_1371, %get3A_1372] {strides = array<i32>} : memref<8x128xf32, #tpu.memory_space<vmem>>, vector<1x16xf32>,
      %get3A_1374 = vector.shape_cast %get3A_1373 : vector<1x16xf32> to vector<16xf32>
      %add3A_1375 = arith.addf %get3A_1369, %get3A_1374 : vector<16xf32>
      %get3A_1376 = arith.constant 7 : i32
      %get3A_1377 = arith.index_cast %get3A_1376 : i32 to index
      %get3A_1378 = arith.constant 32 : index
      %get3A_1379 = tpu.vector_load %arg14[%get3A_1377, %get3A_1378] {strides = array<i32>} : memref<8x128xf32, #tpu.memory_space<vmem>>, vector<1x16xf32>,
      %get3A_1380 = vector.shape_cast %get3A_1379 : vector<1x16xf32> to vector<16xf32>
      %add3A_1381 = arith.addf %add3A_1375, %get3A_1380 : vector<16xf32>
      %swap3A_1382 = arith.constant 7 : i32
      %swap3A_1383 = arith.index_cast %swap3A_1382 : i32 to index
      %swap3A_1384 = arith.constant 32 : index
      %swap3A_1385 = tpu.vector_load %arg15[%swap3A_1383, %swap3A_1384] {strides = array<i32>} : memref<8x128xf32, #tpu.memory_space<vmem>>, vector<1x16xf32>,
      %swap3A_1386 = vector.shape_cast %swap3A_1385 : vector<1x16xf32> to vector<16xf32>
      %swap3A_1387 = vector.shape_cast %add3A_1381 : vector<16xf32> to vector<1x16xf32>
      tpu.vector_store %arg15[%swap3A_1383, %swap3A_1384], %swap3A_1387 {strides = array<i32>} : memref<8x128xf32, #tpu.memory_space<vmem>>, vector<1x16xf32>,
      %get3A_1388 = arith.constant 7 : i32
      %get3A_1389 = arith.index_cast %get3A_1388 : i32 to index
      %get3A_1390 = arith.constant 48 : index
      %get3A_1391 = tpu.vector_load %arg12[%get3A_1389, %get3A_1390] {strides = array<i32>} : memref<8x128xf32, #tpu.memory_space<vmem>>, vector<1x16xf32>,
      %get3A_1392 = vector.shape_cast %get3A_1391 : vector<1x16xf32> to vector<16xf32>
      %get3A_1393 = arith.constant 7 : i32
      %get3A_1394 = arith.index_cast %get3A_1393 : i32 to index
      %get3A_1395 = arith.constant 48 : index
      %get3A_1396 = tpu.vector_load %arg13[%get3A_1394, %get3A_1395] {strides = array<i32>} : memref<8x128xf32, #tpu.memory_space<vmem>>, vector<1x16xf32>,
      %get3A_1397 = vector.shape_cast %get3A_1396 : vector<1x16xf32> to vector<16xf32>
      %add3A_1398 = arith.addf %get3A_1392, %get3A_1397 : vector<16xf32>
      %get3A_1399 = arith.constant 7 : i32
      %get3A_1400 = arith.index_cast %get3A_1399 : i32 to index
      %get3A_1401 = arith.constant 48 : index
      %get3A_1402 = tpu.vector_load %arg14[%get3A_1400, %get3A_1401] {strides = array<i32>} : memref<8x128xf32, #tpu.memory_space<vmem>>, vector<1x16xf32>,
      %get3A_1403 = vector.shape_cast %get3A_1402 : vector<1x16xf32> to vector<16xf32>
      %add3A_1404 = arith.addf %add3A_1398, %get3A_1403 : vector<16xf32>
      %swap3A_1405 = arith.constant 7 : i32
      %swap3A_1406 = arith.index_cast %swap3A_1405 : i32 to index
      %swap3A_1407 = arith.constant 48 : index
      %swap3A_1408 = tpu.vector_load %arg15[%swap3A_1406, %swap3A_1407] {strides = array<i32>} : memref<8x128xf32, #tpu.memory_space<vmem>>, vector<1x16xf32>,
      %swap3A_1409 = vector.shape_cast %swap3A_1408 : vector<1x16xf32> to vector<16xf32>
      %swap3A_1410 = vector.shape_cast %add3A_1404 : vector<16xf32> to vector<1x16xf32>
      tpu.vector_store %arg15[%swap3A_1406, %swap3A_1407], %swap3A_1410 {strides = array<i32>} : memref<8x128xf32, #tpu.memory_space<vmem>>, vector<1x16xf32>,
      %get3A_1411 = arith.constant 7 : i32
      %get3A_1412 = arith.index_cast %get3A_1411 : i32 to index
      %get3A_1413 = arith.constant 64 : index
      %get3A_1414 = tpu.vector_load %arg12[%get3A_1412, %get3A_1413] {strides = array<i32>} : memref<8x128xf32, #tpu.memory_space<vmem>>, vector<1x16xf32>,
      %get3A_1415 = vector.shape_cast %get3A_1414 : vector<1x16xf32> to vector<16xf32>
      %get3A_1416 = arith.constant 7 : i32
      %get3A_1417 = arith.index_cast %get3A_1416 : i32 to index
      %get3A_1418 = arith.constant 64 : index
      %get3A_1419 = tpu.vector_load %arg13[%get3A_1417, %get3A_1418] {strides = array<i32>} : memref<8x128xf32, #tpu.memory_space<vmem>>, vector<1x16xf32>,
      %get3A_1420 = vector.shape_cast %get3A_1419 : vector<1x16xf32> to vector<16xf32>
      %add3A_1421 = arith.addf %get3A_1415, %get3A_1420 : vector<16xf32>
      %get3A_1422 = arith.constant 7 : i32
      %get3A_1423 = arith.index_cast %get3A_1422 : i32 to index
      %get3A_1424 = arith.constant 64 : index
      %get3A_1425 = tpu.vector_load %arg14[%get3A_1423, %get3A_1424] {strides = array<i32>} : memref<8x128xf32, #tpu.memory_space<vmem>>, vector<1x16xf32>,
      %get3A_1426 = vector.shape_cast %get3A_1425 : vector<1x16xf32> to vector<16xf32>
      %add3A_1427 = arith.addf %add3A_1421, %get3A_1426 : vector<16xf32>
      %swap3A_1428 = arith.constant 7 : i32
      %swap3A_1429 = arith.index_cast %swap3A_1428 : i32 to index
      %swap3A_1430 = arith.constant 64 : index
      %swap3A_1431 = tpu.vector_load %arg15[%swap3A_1429, %swap3A_1430] {strides = array<i32>} : memref<8x128xf32, #tpu.memory_space<vmem>>, vector<1x16xf32>,
      %swap3A_1432 = vector.shape_cast %swap3A_1431 : vector<1x16xf32> to vector<16xf32>
      %swap3A_1433 = vector.shape_cast %add3A_1427 : vector<16xf32> to vector<1x16xf32>
      tpu.vector_store %arg15[%swap3A_1429, %swap3A_1430], %swap3A_1433 {strides = array<i32>} : memref<8x128xf32, #tpu.memory_space<vmem>>, vector<1x16xf32>,
      %get3A_1434 = arith.constant 7 : i32
      %get3A_1435 = arith.index_cast %get3A_1434 : i32 to index
      %get3A_1436 = arith.constant 80 : index
      %get3A_1437 = tpu.vector_load %arg12[%get3A_1435, %get3A_1436] {strides = array<i32>} : memref<8x128xf32, #tpu.memory_space<vmem>>, vector<1x16xf32>,
      %get3A_1438 = vector.shape_cast %get3A_1437 : vector<1x16xf32> to vector<16xf32>
      %get3A_1439 = arith.constant 7 : i32
      %get3A_1440 = arith.index_cast %get3A_1439 : i32 to index
      %get3A_1441 = arith.constant 80 : index
      %get3A_1442 = tpu.vector_load %arg13[%get3A_1440, %get3A_1441] {strides = array<i32>} : memref<8x128xf32, #tpu.memory_space<vmem>>, vector<1x16xf32>,
      %get3A_1443 = vector.shape_cast %get3A_1442 : vector<1x16xf32> to vector<16xf32>
      %add3A_1444 = arith.addf %get3A_1438, %get3A_1443 : vector<16xf32>
      %get3A_1445 = arith.constant 7 : i32
      %get3A_1446 = arith.index_cast %get3A_1445 : i32 to index
      %get3A_1447 = arith.constant 80 : index
      %get3A_1448 = tpu.vector_load %arg14[%get3A_1446, %get3A_1447] {strides = array<i32>} : memref<8x128xf32, #tpu.memory_space<vmem>>, vector<1x16xf32>,
      %get3A_1449 = vector.shape_cast %get3A_1448 : vector<1x16xf32> to vector<16xf32>
      %add3A_1450 = arith.addf %add3A_1444, %get3A_1449 : vector<16xf32>
      %swap3A_1451 = arith.constant 7 : i32
      %swap3A_1452 = arith.index_cast %swap3A_1451 : i32 to index
      %swap3A_1453 = arith.constant 80 : index
      %swap3A_1454 = tpu.vector_load %arg15[%swap3A_1452, %swap3A_1453] {strides = array<i32>} : memref<8x128xf32, #tpu.memory_space<vmem>>, vector<1x16xf32>,
      %swap3A_1455 = vector.shape_cast %swap3A_1454 : vector<1x16xf32> to vector<16xf32>
      %swap3A_1456 = vector.shape_cast %add3A_1450 : vector<16xf32> to vector<1x16xf32>
      tpu.vector_store %arg15[%swap3A_1452, %swap3A_1453], %swap3A_1456 {strides = array<i32>} : memref<8x128xf32, #tpu.memory_space<vmem>>, vector<1x16xf32>,
      %get3A_1457 = arith.constant 7 : i32
      %get3A_1458 = arith.index_cast %get3A_1457 : i32 to index
      %get3A_1459 = arith.constant 96 : index
      %get3A_1460 = tpu.vector_load %arg12[%get3A_1458, %get3A_1459] {strides = array<i32>} : memref<8x128xf32, #tpu.memory_space<vmem>>, vector<1x16xf32>,
      %get3A_1461 = vector.shape_cast %get3A_1460 : vector<1x16xf32> to vector<16xf32>
      %get3A_1462 = arith.constant 7 : i32
      %get3A_1463 = arith.index_cast %get3A_1462 : i32 to index
      %get3A_1464 = arith.constant 96 : index
      %get3A_1465 = tpu.vector_load %arg13[%get3A_1463, %get3A_1464] {strides = array<i32>} : memref<8x128xf32, #tpu.memory_space<vmem>>, vector<1x16xf32>,
      %get3A_1466 = vector.shape_cast %get3A_1465 : vector<1x16xf32> to vector<16xf32>
      %add3A_1467 = arith.addf %get3A_1461, %get3A_1466 : vector<16xf32>
      %get3A_1468 = arith.constant 7 : i32
      %get3A_1469 = arith.index_cast %get3A_1468 : i32 to index
      %get3A_1470 = arith.constant 96 : index
      %get3A_1471 = tpu.vector_load %arg14[%get3A_1469, %get3A_1470] {strides = array<i32>} : memref<8x128xf32, #tpu.memory_space<vmem>>, vector<1x16xf32>,
      %get3A_1472 = vector.shape_cast %get3A_1471 : vector<1x16xf32> to vector<16xf32>
      %add3A_1473 = arith.addf %add3A_1467, %get3A_1472 : vector<16xf32>
      %swap3A_1474 = arith.constant 7 : i32
      %swap3A_1475 = arith.index_cast %swap3A_1474 : i32 to index
      %swap3A_1476 = arith.constant 96 : index
      %swap3A_1477 = tpu.vector_load %arg15[%swap3A_1475, %swap3A_1476] {strides = array<i32>} : memref<8x128xf32, #tpu.memory_space<vmem>>, vector<1x16xf32>,
      %swap3A_1478 = vector.shape_cast %swap3A_1477 : vector<1x16xf32> to vector<16xf32>
      %swap3A_1479 = vector.shape_cast %add3A_1473 : vector<16xf32> to vector<1x16xf32>
      tpu.vector_store %arg15[%swap3A_1475, %swap3A_1476], %swap3A_1479 {strides = array<i32>} : memref<8x128xf32, #tpu.memory_space<vmem>>, vector<1x16xf32>,
      %get3A_1480 = arith.constant 7 : i32
      %get3A_1481 = arith.index_cast %get3A_1480 : i32 to index
      %get3A_1482 = arith.constant 112 : index
      %get3A_1483 = tpu.vector_load %arg12[%get3A_1481, %get3A_1482] {strides = array<i32>} : memref<8x128xf32, #tpu.memory_space<vmem>>, vector<1x16xf32>,
      %get3A_1484 = vector.shape_cast %get3A_1483 : vector<1x16xf32> to vector<16xf32>
      %get3A_1485 = arith.constant 7 : i32
      %get3A_1486 = arith.index_cast %get3A_1485 : i32 to index
      %get3A_1487 = arith.constant 112 : index
      %get3A_1488 = tpu.vector_load %arg13[%get3A_1486, %get3A_1487] {strides = array<i32>} : memref<8x128xf32, #tpu.memory_space<vmem>>, vector<1x16xf32>,
      %get3A_1489 = vector.shape_cast %get3A_1488 : vector<1x16xf32> to vector<16xf32>
      %add3A_1490 = arith.addf %get3A_1484, %get3A_1489 : vector<16xf32>
      %get3A_1491 = arith.constant 7 : i32
      %get3A_1492 = arith.index_cast %get3A_1491 : i32 to index
      %get3A_1493 = arith.constant 112 : index
      %get3A_1494 = tpu.vector_load %arg14[%get3A_1492, %get3A_1493] {strides = array<i32>} : memref<8x128xf32, #tpu.memory_space<vmem>>, vector<1x16xf32>,
      %get3A_1495 = vector.shape_cast %get3A_1494 : vector<1x16xf32> to vector<16xf32>
      %add3A_1496 = arith.addf %add3A_1490, %get3A_1495 : vector<16xf32>
      %swap3A_1497 = arith.constant 7 : i32
      %swap3A_1498 = arith.index_cast %swap3A_1497 : i32 to index
      %swap3A_1499 = arith.constant 112 : index
      %swap3A_1500 = tpu.vector_load %arg15[%swap3A_1498, %swap3A_1499] {strides = array<i32>} : memref<8x128xf32, #tpu.memory_space<vmem>>, vector<1x16xf32>,
      %swap3A_1501 = vector.shape_cast %swap3A_1500 : vector<1x16xf32> to vector<16xf32>
      %swap3A_1502 = vector.shape_cast %add3A_1496 : vector<16xf32> to vector<1x16xf32>
      tpu.vector_store %arg15[%swap3A_1498, %swap3A_1499], %swap3A_1502 {strides = array<i32>} : memref<8x128xf32, #tpu.memory_space<vmem>>, vector<1x16xf32>,
      "tpu.region"() ({
        %run_scoped3A = tpu.sem_alloc : memref<!tpu.dma_semaphore, #tpu.memory_space<semaphore_mem>>
        %dma_start3A_1503 = arith.constant 0 : i32
        %dma_start3A_1504 = tpu.memref_slice %arg8[%mul3A_4, %dma_start3A_1503] : memref<200x128xf32, #tpu.memory_space<hbm>> -> memref<8x128xf32, #tpu.memory_space<hbm>>
        %dma_start3A_1505 = arith.constant 0 : i32
        %dma_start3A_1506 = tpu.memref_slice %arg8[%mul3A_4, %dma_start3A_1505] : memref<200x128xf32, #tpu.memory_space<hbm>> -> memref<8x128xf32, #tpu.memory_space<hbm>>
        tpu.enqueue_dma source(%arg15 : memref<8x128xf32, #tpu.memory_space<vmem>>) target(%dma_start3A_1506 : memref<8x128xf32, #tpu.memory_space<hbm>>) target_semaphore(%run_scoped3A : memref<!tpu.dma_semaphore, #tpu.memory_space<semaphore_mem>>)
        %dma_wait3A_1507 = arith.constant 0 : i32
        %dma_wait3A_1508 = tpu.memref_slice %arg8[%mul3A_4, %dma_wait3A_1507] : memref<200x128xf32, #tpu.memory_space<hbm>> -> memref<8x128xf32, #tpu.memory_space<hbm>>
        %dma_wait3A_1509 = arith.constant 0 : i32
        %dma_wait3A_1510 = tpu.memref_slice %arg8[%mul3A_4, %dma_wait3A_1509] : memref<200x128xf32, #tpu.memory_space<hbm>> -> memref<8x128xf32, #tpu.memory_space<hbm>>
        tpu.wait_dma2 semaphore(%run_scoped3A : memref<!tpu.dma_semaphore, #tpu.memory_space<semaphore_mem>>) src(%arg15 : memref<8x128xf32, #tpu.memory_space<vmem>>) dst(%dma_wait3A_1510 : memref<8x128xf32, #tpu.memory_space<hbm>>)
        tpu.yield
      }) : () -> ()
    } else {
    }
    return
  }
}

module attributes {stable_mosaic.version = 14 : i64} {
  func.func @_tc_combine_body(%arg0: memref<1x200xi32, #tpu.memory_space<vmem>>, %arg1: memref<1x200xi32, #tpu.memory_space<vmem>>, %arg2: memref<1x200xi32, #tpu.memory_space<vmem>>, %arg3: memref<8x128xf32, #tpu.memory_space<vmem>>, %arg4: memref<4x128xf32, #tpu.memory_space<vmem>>, %arg5: memref<200x128xf32, #tpu.memory_space<vmem>>, %arg6: memref<200x128xf32, #tpu.memory_space<vmem>>) attributes {dimension_semantics = [], scalar_prefetch = 0 : i64, scratch_operands = 0 : i64, tpu.core_type = #tpu.core_type<tc>} {
    %iota3A = tpu.iota {dimensions = array<i32: 0>} : vector<8x200xi32>
    %get3A = arith.constant 0 : index
    %get3A_0 = arith.constant 0 : index
    %get3A_1 = vector.load %arg0[%get3A, %get3A_0] : memref<1x200xi32, #tpu.memory_space<vmem>>, vector<1x200xi32>
    %eq3A = vector.broadcast %get3A_1 : vector<1x200xi32> to vector<8x200xi32>
    %eq3A_2 = arith.cmpi eq, %eq3A, %iota3A : vector<8x200xi32>
    %convert_element_type3A = arith.extui %eq3A_2 : vector<8x200xi1> to vector<8x200xi32>
    %convert_element_type3A_3 = arith.sitofp %convert_element_type3A : vector<8x200xi32> to vector<8x200xf32>
    %get3A_4 = arith.constant 0 : index
    %get3A_5 = arith.constant 0 : index
    %get3A_6 = vector.load %arg3[%get3A_4, %get3A_5] : memref<8x128xf32, #tpu.memory_space<vmem>>, vector<8x128xf32>
    %dot_general3A = arith.constant dense<0.000000e+00> : vector<200x128xf32>
    %dot_general3A_7 = tpu.matmul %convert_element_type3A_3, %get3A_6, %dot_general3A {dimension_numbers = #tpu.dot_dimension_numbers<[0], [0], [1], [1], [0, 1, 1, 1], [], []>, transpose_lhs_hint = false} : vector<8x200xf32>, vector<8x128xf32>, vector<200x128xf32> -> vector<200x128xf32>
    %iota3A_8 = tpu.iota {dimensions = array<i32: 0>} : vector<4x200xi32>
    %get3A_9 = arith.constant 0 : index
    %get3A_10 = arith.constant 0 : index
    %get3A_11 = vector.load %arg1[%get3A_9, %get3A_10] : memref<1x200xi32, #tpu.memory_space<vmem>>, vector<1x200xi32>
    %eq3A_12 = vector.broadcast %get3A_11 : vector<1x200xi32> to vector<4x200xi32>
    %eq3A_13 = arith.cmpi eq, %eq3A_12, %iota3A_8 : vector<4x200xi32>
    %convert_element_type3A_14 = arith.extui %eq3A_13 : vector<4x200xi1> to vector<4x200xi32>
    %convert_element_type3A_15 = arith.sitofp %convert_element_type3A_14 : vector<4x200xi32> to vector<4x200xf32>
    %get3A_16 = arith.constant 0 : index
    %get3A_17 = arith.constant 0 : index
    %get3A_18 = vector.load %arg4[%get3A_16, %get3A_17] : memref<4x128xf32, #tpu.memory_space<vmem>>, vector<4x128xf32>
    %dot_general3A_19 = arith.constant dense<0.000000e+00> : vector<200x128xf32>
    %dot_general3A_20 = tpu.matmul %convert_element_type3A_15, %get3A_18, %dot_general3A_19 {dimension_numbers = #tpu.dot_dimension_numbers<[0], [0], [1], [1], [0, 1, 1, 1], [], []>, transpose_lhs_hint = false} : vector<4x200xf32>, vector<4x128xf32>, vector<200x128xf32> -> vector<200x128xf32>
    %add3A = arith.addf %dot_general3A_7, %dot_general3A_20 : vector<200x128xf32>
    %iota3A_21 = tpu.iota {dimensions = array<i32: 0>} : vector<200x200xi32>
    %get3A_22 = arith.constant 0 : index
    %get3A_23 = arith.constant 0 : index
    %get3A_24 = vector.load %arg2[%get3A_22, %get3A_23] : memref<1x200xi32, #tpu.memory_space<vmem>>, vector<1x200xi32>
    %eq3A_25 = vector.broadcast %get3A_24 : vector<1x200xi32> to vector<200x200xi32>
    %eq3A_26 = arith.cmpi eq, %eq3A_25, %iota3A_21 : vector<200x200xi32>
    %convert_element_type3A_27 = arith.extui %eq3A_26 : vector<200x200xi1> to vector<200x200xi32>
    %convert_element_type3A_28 = arith.sitofp %convert_element_type3A_27 : vector<200x200xi32> to vector<200x200xf32>
    %get3A_29 = arith.constant 0 : index
    %get3A_30 = arith.constant 0 : index
    %get3A_31 = vector.load %arg5[%get3A_29, %get3A_30] : memref<200x128xf32, #tpu.memory_space<vmem>>, vector<200x128xf32>
    %dot_general3A_32 = arith.constant dense<0.000000e+00> : vector<200x128xf32>
    %dot_general3A_33 = tpu.matmul %convert_element_type3A_28, %get3A_31, %dot_general3A_32 {dimension_numbers = #tpu.dot_dimension_numbers<[0], [0], [1], [1], [0, 1, 1, 1], [], []>, transpose_lhs_hint = false} : vector<200x200xf32>, vector<200x128xf32>, vector<200x128xf32> -> vector<200x128xf32>
    %add3A_34 = arith.addf %add3A, %dot_general3A_33 : vector<200x128xf32>
    %swap3A = arith.constant 0 : index
    %swap3A_35 = arith.constant 0 : index
    %swap3A_36 = vector.load %arg6[%swap3A, %swap3A_35] : memref<200x128xf32, #tpu.memory_space<vmem>>, vector<200x128xf32>
    tpu.vector_store %arg6[%swap3A, %swap3A_35], %add3A_34 {strides = array<i32>} : memref<200x128xf32, #tpu.memory_space<vmem>>, vector<200x128xf32>,
    return
  }
}

module attributes {stable_mosaic.version = 14 : i64} {
  func.func @_fuse_tail_body(%arg0: i32, %arg1: memref<4096x200x128xf32, #tpu.memory_space<hbm>>, %arg2: memref<200x128xf32, #tpu.memory_space<vmem>>, %arg3: memref<128xf32, #tpu.memory_space<vmem>>, %arg4: memref<128xf32, #tpu.memory_space<vmem>>, %arg5: memref<200x128xf32, #tpu.memory_space<vmem>>, %arg6: memref<128x200x128xf32, #tpu.memory_space<vmem>>) attributes {dimension_semantics = [#tpu.dimension_semantics<parallel>], iteration_bounds = array<i64: 30>, scalar_prefetch = 0 : i64, scratch_operands = 0 : i64, tpu.core_type = #tpu.core_type<tc>, window_params = [{}, {transform_indices = @transform_1, window_bounds = array<i64: 200, 128>}, {pipeline_mode = #tpu.pipeline_mode<synchronous>, transform_indices = @transform_2, window_bounds = array<i64: 128>}, {pipeline_mode = #tpu.pipeline_mode<synchronous>, transform_indices = @transform_3, window_bounds = array<i64: 128>}, {pipeline_mode = #tpu.pipeline_mode<synchronous>, transform_indices = @transform_4, window_bounds = array<i64: 200, 128>}, {transform_indices = @transform_5, window_bounds = array<i64: 128, 200, 128>}]} {
    %get3A = arith.constant 0 : index
    %get3A_0 = arith.constant 0 : index
    %get3A_1 = vector.load %arg2[%get3A, %get3A_0] : memref<200x128xf32, #tpu.memory_space<vmem>>, vector<200x128xf32>
    %transpose3A = tpu.transpose %get3A_1, [1, 0] : vector<200x128xf32> -> vector<128x200xf32>
    %reshape3A = vector.shape_cast %transpose3A : vector<128x200xf32> to vector<128x200x1xf32>
    %get3A_2 = arith.constant 0 : index
    %get3A_3 = vector.load %arg3[%get3A_2] : memref<128xf32, #tpu.memory_space<vmem>>, vector<128xf32>
    %broadcast_in_dim3A = vector.shape_cast %get3A_3 : vector<128xf32> to vector<1x1x128xf32>
    %get3A_4 = arith.constant 0 : index
    %get3A_5 = arith.constant 0 : index
    %get3A_6 = vector.load %arg5[%get3A_4, %get3A_5] : memref<200x128xf32, #tpu.memory_space<vmem>>, vector<200x128xf32>
    %get3A_7 = arith.constant 0 : index
    %get3A_8 = vector.load %arg4[%get3A_7] : memref<128xf32, #tpu.memory_space<vmem>>, vector<128xf32>
    %broadcast_in_dim3A_9 = vector.shape_cast %get3A_8 : vector<128xf32> to vector<1x128xf32>
    %add3A = vector.broadcast %broadcast_in_dim3A_9 : vector<1x128xf32> to vector<200x128xf32>
    %add3A_10 = arith.addf %get3A_6, %add3A : vector<200x128xf32>
    %broadcast_in_dim3A_11 = vector.shape_cast %add3A_10 : vector<200x128xf32> to vector<1x200x128xf32>
    %mul3A = vector.broadcast %reshape3A : vector<128x200x1xf32> to vector<128x200x128xf32>
    %mul3A_12 = vector.broadcast %broadcast_in_dim3A : vector<1x1x128xf32> to vector<128x200x128xf32>
    %mul3A_13 = arith.mulf %mul3A, %mul3A_12 : vector<128x200x128xf32>
    %add3A_14 = vector.broadcast %broadcast_in_dim3A_11 : vector<1x200x128xf32> to vector<128x200x128xf32>
    %add3A_15 = arith.addf %mul3A_13, %add3A_14 : vector<128x200x128xf32>
    %swap3A = arith.constant 0 : index
    %swap3A_16 = arith.constant 0 : index
    %swap3A_17 = arith.constant 0 : index
    %swap3A_18 = vector.load %arg6[%swap3A, %swap3A_16, %swap3A_17] : memref<128x200x128xf32, #tpu.memory_space<vmem>>, vector<128x200x128xf32>
    tpu.vector_store %arg6[%swap3A, %swap3A_16, %swap3A_17], %add3A_15 {strides = array<i32>} : memref<128x200x128xf32, #tpu.memory_space<vmem>>, vector<128x200x128xf32>,
    return
  }
  func.func @transform_1(%arg0: i32) -> (i32, i32) {
    %add3A = arith.constant 2 : i32
    %add3A_0 = arith.addi %arg0, %add3A : i32
    %c0_i32 = arith.constant 0 : i32
    %c0_i32_1 = arith.constant 0 : i32
    return %c0_i32, %add3A_0 : i32, i32
  }
  func.func @transform_2(%arg0: i32) -> i32 {
    %c0_i32 = arith.constant 0 : i32
    %c0_i32_0 = arith.constant 0 : i32
    return %c0_i32 : i32
  }
  func.func @transform_3(%arg0: i32) -> i32 {
    %c0_i32 = arith.constant 0 : i32
    %c0_i32_0 = arith.constant 0 : i32
    return %c0_i32 : i32
  }
  func.func @transform_4(%arg0: i32) -> (i32, i32) {
    %c0_i32 = arith.constant 0 : i32
    %c0_i32_0 = arith.constant 0 : i32
    %c0_i32_1 = arith.constant 0 : i32
    return %c0_i32, %c0_i32_0 : i32, i32
  }
  func.func @transform_5(%arg0: i32) -> (i32, i32, i32) {
    %add3A = arith.constant 2 : i32
    %add3A_0 = arith.addi %arg0, %add3A : i32
    %c0_i32 = arith.constant 0 : i32
    %c0_i32_1 = arith.constant 0 : i32
    %c0_i32_2 = arith.constant 0 : i32
    return %add3A_0, %c0_i32, %c0_i32_1 : i32, i32, i32
  }
}

module attributes {stable_mosaic.version = 14 : i64} {
  func.func @_fuse_body(%arg0: i32, %arg1: memref<200x128xf32, #tpu.memory_space<vmem>>, %arg2: memref<128xf32, #tpu.memory_space<vmem>>, %arg3: memref<128xf32, #tpu.memory_space<vmem>>, %arg4: memref<200x128xf32, #tpu.memory_space<vmem>>, %arg5: memref<128x200x128xf32, #tpu.memory_space<vmem>>) attributes {dimension_semantics = [#tpu.dimension_semantics<parallel>], iteration_bounds = array<i64: 2>, scalar_prefetch = 0 : i64, scratch_operands = 0 : i64, tpu.core_type = #tpu.core_type<tc>, window_params = [{transform_indices = @transform_0, window_bounds = array<i64: 200, 128>}, {pipeline_mode = #tpu.pipeline_mode<synchronous>, transform_indices = @transform_1, window_bounds = array<i64: 128>}, {pipeline_mode = #tpu.pipeline_mode<synchronous>, transform_indices = @transform_2, window_bounds = array<i64: 128>}, {pipeline_mode = #tpu.pipeline_mode<synchronous>, transform_indices = @transform_3, window_bounds = array<i64: 200, 128>}, {transform_indices = @transform_4, window_bounds = array<i64: 128, 200, 128>}]} {
    %get3A = arith.constant 0 : index
    %get3A_0 = arith.constant 0 : index
    %get3A_1 = vector.load %arg1[%get3A, %get3A_0] : memref<200x128xf32, #tpu.memory_space<vmem>>, vector<200x128xf32>
    %transpose3A = tpu.transpose %get3A_1, [1, 0] : vector<200x128xf32> -> vector<128x200xf32>
    %reshape3A = vector.shape_cast %transpose3A : vector<128x200xf32> to vector<128x200x1xf32>
    %get3A_2 = arith.constant 0 : index
    %get3A_3 = vector.load %arg2[%get3A_2] : memref<128xf32, #tpu.memory_space<vmem>>, vector<128xf32>
    %broadcast_in_dim3A = vector.shape_cast %get3A_3 : vector<128xf32> to vector<1x1x128xf32>
    %get3A_4 = arith.constant 0 : index
    %get3A_5 = arith.constant 0 : index
    %get3A_6 = vector.load %arg4[%get3A_4, %get3A_5] : memref<200x128xf32, #tpu.memory_space<vmem>>, vector<200x128xf32>
    %get3A_7 = arith.constant 0 : index
    %get3A_8 = vector.load %arg3[%get3A_7] : memref<128xf32, #tpu.memory_space<vmem>>, vector<128xf32>
    %broadcast_in_dim3A_9 = vector.shape_cast %get3A_8 : vector<128xf32> to vector<1x128xf32>
    %add3A = vector.broadcast %broadcast_in_dim3A_9 : vector<1x128xf32> to vector<200x128xf32>
    %add3A_10 = arith.addf %get3A_6, %add3A : vector<200x128xf32>
    %broadcast_in_dim3A_11 = vector.shape_cast %add3A_10 : vector<200x128xf32> to vector<1x200x128xf32>
    %mul3A = vector.broadcast %reshape3A : vector<128x200x1xf32> to vector<128x200x128xf32>
    %mul3A_12 = vector.broadcast %broadcast_in_dim3A : vector<1x1x128xf32> to vector<128x200x128xf32>
    %mul3A_13 = arith.mulf %mul3A, %mul3A_12 : vector<128x200x128xf32>
    %add3A_14 = vector.broadcast %broadcast_in_dim3A_11 : vector<1x200x128xf32> to vector<128x200x128xf32>
    %add3A_15 = arith.addf %mul3A_13, %add3A_14 : vector<128x200x128xf32>
    %swap3A = arith.constant 0 : index
    %swap3A_16 = arith.constant 0 : index
    %swap3A_17 = arith.constant 0 : index
    %swap3A_18 = vector.load %arg5[%swap3A, %swap3A_16, %swap3A_17] : memref<128x200x128xf32, #tpu.memory_space<vmem>>, vector<128x200x128xf32>
    tpu.vector_store %arg5[%swap3A, %swap3A_16, %swap3A_17], %add3A_15 {strides = array<i32>} : memref<128x200x128xf32, #tpu.memory_space<vmem>>, vector<128x200x128xf32>,
    return
  }
  func.func @transform_0(%arg0: i32) -> (i32, i32) {
    %c0_i32 = arith.constant 0 : i32
    %c0_i32_0 = arith.constant 0 : i32
    return %c0_i32, %arg0 : i32, i32
  }
  func.func @transform_1(%arg0: i32) -> i32 {
    %c0_i32 = arith.constant 0 : i32
    %c0_i32_0 = arith.constant 0 : i32
    return %c0_i32 : i32
  }
  func.func @transform_2(%arg0: i32) -> i32 {
    %c0_i32 = arith.constant 0 : i32
    %c0_i32_0 = arith.constant 0 : i32
    return %c0_i32 : i32
  }
  func.func @transform_3(%arg0: i32) -> (i32, i32) {
    %c0_i32 = arith.constant 0 : i32
    %c0_i32_0 = arith.constant 0 : i32
    %c0_i32_1 = arith.constant 0 : i32
    return %c0_i32, %c0_i32_0 : i32, i32
  }
  func.func @transform_4(%arg0: i32) -> (i32, i32, i32) {
    %c0_i32 = arith.constant 0 : i32
    %c0_i32_0 = arith.constant 0 : i32
    %c0_i32_1 = arith.constant 0 : i32
    return %arg0, %c0_i32, %c0_i32_0 : i32, i32, i32
  }
}

</mosaic_0001>

<sc_bundles>
// kernel: kernel.6.cloned.1.call-start
scs
__scs_entry_jumppad:
0x0: {  	(pc) =	sbr.rel $0x88, $3  }
0x1: {  	(tag) =	ssettag $0x0;
	lr =	simm.s32 $0x1  }
0x2: {  	[smem:$0x3F98] =	sst lr;
	_ =	strace $0xD0000000  }
0x3: {  	_ = 	snop  }
0x4: {  	_ = 	snop  }
0x5: {  	_ = 	snop  }
0x6: {  	_ = 	snop  }
0x7: {  	_ = 	snop  }
__scs_overlays_trampoline_lowered:
0x8: {  	[smem:$0x3FA7] =	sst s0  }
0x9: {  	[smem:$0x3FA8] =	sst s1  }
0xa: {  	[smem:$0x3FA9] =	sst s2  }
0xb: {  	[smem:$0x3FAA] =	sst s3  }
0xc: {  	[smem:$0x3FAB] =	sst s4  }
0xd: {  	[smem:$0x3FAC] =	sst s5  }
0xe: {  	[smem:$0x3FAD] =	sst s6  }
0xf: {  	[smem:$0x3FAE] =	sst s7  }
0x10: {  	[smem:$0x3FAF] =	sst s8  }
0x11: {  	[smem:$0x3FB0] =	sst s9;
	s0 =	simm.s32 @!p0 $0x0  }
0x12: {  	s1 =	sld [smem:$0x3F96];
	s0 =	simm.s32 @p0 $0x1  }
0x13: {  	[smem:$0x3FB1] =	sst s0;
	s0 =	simm.s32 @!p1 $0x0  }
0x14: {  	s2 =	sld [smem:$0x3F95];
	s0 =	simm.s32 @p1 $0x1  }
0x15: {  	[smem:$0x3FB2] =	sst s0;
	s0 =	simm.s32 @!p2 $0x0  }
0x16: {  	s3 =	sld [smem:$0x3FDB];
	s0 =	simm.s32 @p2 $0x1  }
0x17: {  	s4 =	simm.s32 $0x1BF5;
	[smem:$0x3FB4] =	sst s0  }
0x18: {  	s0 =	sld [smem:$0x3F97];
	_ =	swait.ge [sflag:s4], $0x0  }
0x19: {  	s7 =	sld [smem:$0x3F98]  }
0x1a: {  	s8 =	sadd.s32 $0xFFFFE003, lr  }
0x1b: {  	s9 =	sadd.s32 $0xFFFFFEF7, lr;
	s5 =	simm.s32 $0xFFFFFFFF;
	p2 =	slt.u32 s8, $0xFFFFF086  }
0x1c: {  	p1 =	slt.u32 s9, $0xF7A;
	s5 =	simm.s32 @!p2 $0x0  }
0x1d: {  	s5 =	simm.s32 @p1 $0x1;
	p0 =	seq.s32 s7, s2  }
0x1e: {  	s7 =	smul.u32 @!p0 $0xF7A, s2;
	p2 =	seq.s32 @!p0 s5, $0x0  }
0x1f: {  	s9 =	smul.u32 $0xF7A, s1;
	s8 =	simm.s32 @!p0 $0x1BF5;
	p2 =	por !p2, p0  }
0x20: {  	[sflag:s8] =	ssyncset.s32 @!p0 $0xFFFFF086;
	s6 =	sadd.s32 @!p0 s3, s7;
	s7 =	simm.s32 @!p0 $0x108  }
0x21: {  	s3 =	sadd.s32 s3, s9;
	s6 =	sadd.s32 @!p0 $0x88, s6;
	s7 =	simm.s32 @p2 $0x1082  }
0x22: {  	[simem:s7], [sflag:s8] =	dma.local @!p0 [hbm:s6], $0xF7A  }
0x23: {  	s9 =	sor.u32 $0xD0000000, s2;
	s6 =	simm.s32 $0x108;
	_ =	swait.ge @!p0 [sflag:s8], $0x0  }
0x24: {  	s3 =	sadd.s32 $0x88, s3;
	s6 =	simm.s32 @!p1 $0x1082;
	[sflag:s4] =	ssyncset.s32 $0xFFFFF086  }
0x25: {  	[simem:s6], [sflag:s4] =	dma.local [hbm:s3], $0xF7A  }
0x26: {  	[smem:$0x3F98] =	sst s1;
	(tag) =	ssettag s2;
	_ =	strace s9  }
0x27: {  	s1 =	sld [smem:$0x3FA8]  }
0x28: {  	s2 =	sld [smem:$0x3FA9]  }
0x29: {  	s4 =	sld [smem:$0x3FAB]  }
0x2a: {  	p0 =	seq.s32 s5, $0x0;
	s5 =	sld [smem:$0x3FAC]  }
0x2b: {  	s6 =	sld [smem:$0x3FAD]  }
0x2c: {  	s7 =	sld [smem:$0x3FAE]  }
0x2d: {  	s3 =	simm.s32 $0x108;
	s8 =	sld [smem:$0x3FAF]  }
0x2e: {  	s3 =	simm.s32 @!p0 $0x1082;
	s9 =	sld [smem:$0x3FB0]  }
0x2f: {  	lr =	sadd.s32 s0, s3;
	s0 =	sld [smem:$0x3FA7]  }
0x30: {  	s3 =	sld [smem:$0x3FAA]  }
0x31: {  	[smem:$0x3FB3] =	sst s10  }
0x32: {  	s10 =	sld [smem:$0x3FB1];
	_ =	sdelay $0x3  }
0x33: {  	p0 =	seq.s32 s10, $0x1;
	s10 =	sld [smem:$0x3FB3];
	_ =	sdelay $0x3  }
0x34: {  	[smem:$0x3FB3] =	sst s10  }
0x35: {  	s10 =	sld [smem:$0x3FB2];
	_ =	sdelay $0x3  }
0x36: {  	p1 =	seq.s32 s10, $0x1;
	s10 =	sld [smem:$0x3FB3];
	_ =	sdelay $0x3  }
0x37: {  	[smem:$0x3FB3] =	sst s10  }
0x38: {  	s10 =	sld [smem:$0x3FB4]  }
0x39: {  	_ = 	snop;
	(pc) =	sbr.ind lr, $3  }
0x3a: {  	_ = 	snop  }
0x3b: {  	_ = 	snop  }
0x3c: {  	p2 =	seq.s32 s10, $0x1;
	s10 =	sld [smem:$0x3FB3]  }
0x3d: {  	_ =	shalt  }
0x3e: {  	_ =	shalt  }
0x3f: {  	_ =	shalt  }
0x40: {  	_ =	shalt  }
0x41: {  	_ =	shalt  }
0x42: {  	_ =	shalt  }
0x43: {  	_ =	shalt  }
0x44: {  	_ =	shalt  }
0x45: {  	_ =	shalt  }
0x46: {  	_ =	shalt  }
0x47: {  	_ =	shalt  }
0x48: {  	_ =	shalt  }
0x49: {  	_ =	shalt  }
0x4a: {  	_ =	shalt  }
0x4b: {  	_ =	shalt  }
0x4c: {  	_ =	shalt  }
0x4d: {  	_ =	shalt  }
0x4e: {  	_ =	shalt  }
0x4f: {  	_ =	shalt  }
0x50: {  	_ =	shalt  }
0x51: {  	_ =	shalt  }
0x52: {  	_ =	shalt  }
0x53: {  	_ =	shalt  }
0x54: {  	_ =	shalt  }
0x55: {  	_ =	shalt  }
0x56: {  	_ =	shalt  }
0x57: {  	_ =	shalt  }
0x58: {  	_ =	shalt  }
0x59: {  	_ =	shalt  }
0x5a: {  	_ =	shalt  }
0x5b: {  	_ =	shalt  }
0x5c: {  	_ =	shalt  }
0x5d: {  	_ =	shalt  }
0x5e: {  	_ =	shalt  }
0x5f: {  	_ =	shalt  }
0x60: {  	_ =	shalt  }
0x61: {  	_ =	shalt  }
0x62: {  	_ =	shalt  }
0x63: {  	_ =	shalt  }
0x64: {  	_ =	shalt  }
0x65: {  	_ =	shalt  }
0x66: {  	_ =	shalt  }
0x67: {  	_ =	shalt  }
0x68: {  	_ =	shalt  }
0x69: {  	_ =	shalt  }
0x6a: {  	_ =	shalt  }
0x6b: {  	_ =	shalt  }
0x6c: {  	_ =	shalt  }
0x6d: {  	_ =	shalt  }
0x6e: {  	_ =	shalt  }
0x6f: {  	_ =	shalt  }
0x70: {  	_ =	shalt  }
0x71: {  	_ =	shalt  }
0x72: {  	_ =	shalt  }
0x73: {  	_ =	shalt  }
0x74: {  	_ =	shalt  }
0x75: {  	_ =	shalt  }
0x76: {  	_ =	shalt  }
0x77: {  	_ =	shalt  }
0x78: {  	_ =	shalt  }
0x79: {  	_ =	shalt  }
0x7a: {  	_ =	shalt  }
0x7b: {  	_ =	shalt  }
0x7c: {  	_ =	shalt  }
0x7d: {  	_ =	shalt  }
0x7e: {  	_ =	shalt  }
0x7f: {  	_ =	shalt  }
0x80: {  	_ =	shalt  }
0x81: {  	_ =	shalt  }
0x82: {  	_ =	shalt  }
0x83: {  	_ =	shalt  }
0x84: {  	_ =	shalt  }
0x85: {  	_ =	shalt  }
0x86: {  	_ =	shalt  }
0x87: {  	_ =	shalt  }
.Lfunc_end0:
.L_simem_size_0:
called_computation_lowered:
.L_overlay_start_0:
0x88: {  	s2 =	sld [smem:$0x3FD9]  }
0x89: {  	s3 =	sld [smem:$0x3FFE];
	_ =	sdelay $0x1  }
0x8a: {  	s1 =	srdreg.scid  }
0x8b: {  	s0 =	sand.u32 $0x1, s1  }
0x8c: {  	s17 =	sshll.u32 s0, $0xA;
	s2 =	sadd.s32 s3, s2  }
0x8d: {  	s2 =	sadd.s32 s2, s17  }
0x8e: {  	[smem:$0x3FBF] =	sst s2  }
0x8f: {  	_ = 	snop  }
0x90: {  	s2 =	sld [smem:$0x3FC6]  }
0x91: {  	s18 =	sld [smem:$0x3FC5]  }
0x92: {  	s4 =	sld [smem:$0x3FC4]  }
0x93: {  	s5 =	sld [smem:$0x3FC3]  }
0x94: {  	s6 =	sld [smem:$0x3FC2]  }
0x95: {  	s7 =	sld [smem:$0x3FC1];
	(tm) =	ssettm $0x1  }
0x96: {  	s8 =	sld [smem:$0x3FFB];
	_ =	sdelay $0x3  }
0x97: {  	_ =	strace s8  }
0x98: {  	s8 =	sld [smem:$0x3FFC];
	_ =	sdelay $0x3  }
0x99: {  	_ =	strace s8  }
0x9a: {  	s8 =	sld [smem:$0x3FFD];
	_ =	sdelay $0x3  }
0x9b: {  	_ =	strace s8  }
0x9c: {  	_ =	strace $0x8FFFFFFF  }
0x9d: {  	s19 =	sld [smem:$0x3FDB];
	_ =	sdelay $0x1  }
0x9e: {  	s9 =	simm.s32 $_scs_section_size  }
0x9f: {  	s10 =	simm.s32 $_size__tile_overlayer_lowered;
	s11 =	simm.s32 $_tile_overlayer_lowered  }
0xa0: {  	s22 =	simm.s32 $0x1BFF;
	s21 =	sshll.u32 s11, $0x1;
	s8 =	sadd.s32 s9, s19  }
0xa1: {  	s12 =	simm.s32 $0x0;
	s20 =	sshll.u32 s10, $0x1;
	s10 =	sadd.s32 s21, s8  }
0xa2: {  	[timem:s12], [sflag:s22] =	dma.local [hbm:s10], s20  }
0xa3: {  	_ =	swait.ge [sflag:s22], s20  }
0xa4: {  	s9 =	ssub.s32 $0x0, s20;
	[sflag:s22] =	ssyncset.done $0x0  }
0xa5: {  	[sflag:s22] =	ssyncadd.s32 s9;
	_ =	sdelay $0x1  }
0xa6: {  	s23 =	simm.s32 $0x1B8B  }
0xa7: {  	_ =	swait.ge [sflag:s23], $0x1  }
0xa8: {  	[sflag:s23] =	ssyncset.done $0x0  }
0xa9: {  	s25 =	simm.s32 $0x1B8E;
	s24 =	sld [smem:$0x3FFE];
	[sflag:s23] =	ssyncadd.s32 $0xFFFFFFFF  }
0xaa: {  	s26 =	simm.s32 $execute0_lowered;
	[smem:$0x3FD2] =	sst s25  }
0xab: {  	s10 =	sshll.u32 s26, $0x1;
	_ =	strace $0x80000046;
	[dreg:$0x1] =	wrdreg $0xFFFFFFFF  }
0xac: {  	s28 =	simm.s32 $_size_execute0_lowered;
	s8 =	sadd.s32 s8, s10;
	[dreg:$0x0] =	wrdreg $0x0  }
0xad: {  	s10 =	sshll.u32 s28, $0x1;
	[dreg:$0x2] =	wrdreg s8  }
0xae: {  	[dreg:$0x3] =	wrdreg s10  }
0xaf: {  	[dreg:$0x4] =	wrdreg $0xC0  }
0xb0: {  	_ =	task [dreg:s12], $0x5FFFF  }
0xb1: {  	[dreg:$0x1] =	wrdreg $0xFFFFFFFF  }
0xb2: {  	[dreg:$0x0] =	wrdreg $0x60  }
0xb3: {  	[dreg:$0x2] =	wrdreg s2  }
0xb4: {  	[dreg:$0x3] =	wrdreg s18  }
0xb5: {  	[dreg:$0x4] =	wrdreg s4  }
0xb6: {  	[dreg:$0x5] =	wrdreg s5  }
0xb7: {  	[dreg:$0x6] =	wrdreg s6  }
0xb8: {  	[dreg:$0x7] =	wrdreg s7  }
0xb9: {  	[dreg:$0x8] =	wrdreg s24  }
0xba: {  	[dreg:$0x9] =	wrdreg $0x9  }
0xbb: {  	_ =	task.clear_ibuf [dreg:s12], $0xAFFFF;
	_ =	strace $0x90000046  }
0xbc: {  	s29 =	simm.s32 $0x9;
	_ =	strace $0x80000048  }
0xbd: {  	_ =	swait.ge [sflag:s29], $0x1  }
0xbe: {  	[sflag:s29] =	ssyncadd.s32 $0xFFFFFFFF  }
0xbf: {  	_ =	strace $0x90000048  }
0xc0: {  	_ =	sfence  }
0xc1: {  	s30 =	sld [smem:$0x0];
	_ =	sdelay $0x2  }
0xc2: {  	s31 =	sshll.u32 s1, $0xD;
	s1 =	sshrl.u32 s1, $0x2  }
0xc3: {  	s3 =	sand.u32 $0x4000, s31;
	s1 =	sadd.s32 s1, s30  }
0xc4: {  	s0 =	sor.u32 s3, s0;
	s1 =	sshll.u32 s1, $0x11  }
0xc5: {  	s0 =	sor.u32 s1, s0  }
0xc6: {  	s0 =	sadd.s32 $0x8F2B, s0  }
0xc7: {  	[sflag:s0] =	ssyncadd.remote.s32 $0x1  }
0xc8: {  	_ =	sfence.sel $0xFFFF  }
0xc9: {  	[dreg:$0x0] =	wrdreg $0xFFFFFFFF;
	(pc) =	sbr.abs _section_cstart, $3  }
0xca: {  	[dreg:$0x1] =	wrdreg $0xFFFFFFFF  }
0xcb: {  	_ =	task.clear_ibuf [dreg:s12], $0x2FFFF;
	_ =	strace $0x9FFFFFFF  }
0xcc: {  	(tm) =	ssettm $0x7FFFFFFF  }
0xcd: {  	_ =	shalt  }
tec
execute0_lowered:
.L_overlay_start_1:
0x0: {  	(tag) =	ssettag $0x1  }
0x1: {  	s0 =	rddreg [dreg:$0x0]  }
0x2: {  	s4 =	srdreg.scid;
	s3 =	stileid.u32  }
0x3: {  	s1 =	rddreg [dreg:$0x1];
	s11 =	sand.u32 $0x1, s4;
	s10 =	sshll.u32 s3, $0x1  }
0x4: {  	s2 =	rddreg [dreg:$0x2];
	s10 =	sor.u32 s11, s10  }
0x5: {  	s9 =	rddreg [dreg:$0x3];
	p0 =	sgt.u32 s10, $0x18  }
.Ltmp0:
0x6: {  	s8 =	rddreg [dreg:$0x4];
	(pc) =	sbr.rel @p0 .LBB2_3-.Ltmp0, $4  }
0x7: {  	s7 =	rddreg [dreg:$0x5]  }
0x8: {  	s6 =	rddreg [dreg:$0x6];
	s5 =	simm.s32 $0x0  }
0x9: {  	[smem:$0x7FF] =	sst s5  }
0xa: {  	s4 =	rddreg [dreg:$0x7];
	_ =	strace $0x80000047  }
0xb: {  	s12 =	sshll.u32 s10, $0x7  }
0xc: {  	s11 =	ssub.s32 $0x2, s11;
	s7 =	sadd.s32 s7, s10;
	s8 =	sadd.s32 s8, s10  }
0xd: {  	s9 =	sadd.s32 s9, s10;
	s13 =	simm.s32 $0x1;
	s14 =	simm.s32 $0x8  }
0xe: {  	s15 =	simm.s32 $0x180;
	s16 =	simm.s32 $0x580;
	s17 =	simm.s32 $0x980  }
0xf: {  	s18 =	simm.s32 $0xD80;
	s19 =	simm.s32 $0x2;
	s31 =	sshrl.u32 s11, $0x1  }
0x10: {  	s6 =	sadd.s32 s12, s6;
	s12 =	simm.s32 $0x100;
	s11 =	ssub.s32 s11, s31  }
0x11: {  	s6 =	sadd.s32 $0x1800, s6;
	s10 =	smax.u32 s11, $0x1;
	s11 =	simm.s32 $0x80  }
.LBB2_2:
0x12: {  	[tilespmem:s5], [sflag:$0x1] =	stream.linear.gather [hbm4b:s9+s5], $0x8, $0x38;
	[tilespmem:$0x1180] =	vst v63  }
0x13: {  	_ = 	snop  }
0x14: {  	[tilespmem:s11], [sflag:$0x1] =	stream.linear.gather [hbm4b:s8+s5], $0x8, $0x38;
	[tilespmem:$0x1180] =	vst v63  }
0x15: {  	_ = 	snop  }
0x16: {  	[tilespmem:s12], [sflag:$0x1] =	stream.linear.gather [hbm4b:s7+s5], $0x8, $0x38;
	[tilespmem:$0x1180] =	vst v63  }
0x17: {  	_ =	swait.ge [sflag:s13], $0x8  }
0x18: {  	[sflag:s13] =	ssyncset.done $0x0  }
0x19: {  	[sflag:s13] =	ssyncadd.s32 $0xFFFFFFF8  }
0x1a: {  	_ =	swait.ge [sflag:s13], $0x8  }
0x1b: {  	[sflag:s13] =	ssyncset.done $0x0  }
0x1c: {  	[sflag:s13] =	ssyncadd.s32 $0xFFFFFFF8  }
0x1d: {  	_ =	swait.ge [sflag:s13], $0x8  }
0x1e: {  	[sflag:s13] =	ssyncset.done $0x0  }
0x1f: {  	[sflag:s13] =	ssyncadd.s32 $0xFFFFFFF8  }
0x20: {  	[tilespmem:s15], [sflag:$0x1] =	stream.indirect.gather [hbm4b:s0+s14], $0x80, s5, s14, $0xb8;
	[tilespmem:$0x1180] =	vst v63  }
0x21: {  	_ = 	snop  }
0x22: {  	[tilespmem:s16], [sflag:$0x1] =	stream.indirect.gather [hbm4b:s1+s14], $0x80, s11, s14, $0xb8;
	[tilespmem:$0x1180] =	vst v63  }
0x23: {  	_ = 	snop  }
0x24: {  	[tilespmem:s17], [sflag:$0x1] =	stream.indirect.gather [hbm4b:s2+s14], $0x80, s12, s14, $0xb8;
	[tilespmem:$0x1180] =	vst v63  }
0x25: {  	_ =	swait.ge [sflag:s13], $0x400  }
0x26: {  	[sflag:s13] =	ssyncset.done $0x0  }
0x27: {  	[sflag:s13] =	ssyncadd.s32 $0xFFFFFC00  }
0x28: {  	_ =	swait.ge [sflag:s13], $0x400  }
0x29: {  	[sflag:s13] =	ssyncset.done $0x0  }
0x2a: {  	[sflag:s13] =	ssyncadd.s32 $0xFFFFFC00  }
0x2b: {  	_ =	swait.ge [sflag:s13], $0x400  }
0x2c: {  	[sflag:s13] =	ssyncset.done $0x0  }
0x2d: {  	[sflag:s13] =	ssyncadd.s32 $0xFFFFFC00  }
0x2e: {  	v61 =	vld [tilespmem:$0x2E0];
	_ =	sdelay $0x4  }
0x2f: {  	[tilespmem:$0x1FB90] =	vst v61;
	v61 =	vld [tilespmem:$0xAE0];
	_ =	sdelay $0x4  }
0x30: {  	[tilespmem:$0x1FBD0] =	vst v61;
	v61 =	vld [tilespmem:$0x2F0];
	_ =	sdelay $0x4  }
0x31: {  	[tilespmem:$0x1FBB0] =	vst v61;
	v61 =	vld [tilespmem:$0x6F0];
	_ =	sdelay $0x4  }
0x32: {  	[tilespmem:$0x1FBC0] =	vst v61;
	v61 =	vld [tilespmem:$0xAF0];
	_ =	sdelay $0x4  }
0x33: {  	[tilespmem:$0x1FC00] =	vst v61;
	v61 =	vld [tilespmem:$0x300];
	_ =	sdelay $0x4  }
0x34: {  	[tilespmem:$0x1FBE0] =	vst v61;
	v61 =	vld [tilespmem:$0x700];
	_ =	sdelay $0x4  }
0x35: {  	[tilespmem:$0x1FBF0] =	vst v61;
	v61 =	vld [tilespmem:$0xB00];
	_ =	sdelay $0x4  }
0x36: {  	[tilespmem:$0x1FC30] =	vst v61;
	v61 =	vld [tilespmem:$0x310];
	_ =	sdelay $0x4  }
0x37: {  	[tilespmem:$0x1FC10] =	vst v61;
	v61 =	vld [tilespmem:$0x710];
	_ =	sdelay $0x4  }
0x38: {  	[tilespmem:$0x1FC20] =	vst v61;
	v61 =	vld [tilespmem:$0xB10];
	_ =	sdelay $0x4  }
0x39: {  	[tilespmem:$0x1FC60] =	vst v61;
	v61 =	vld [tilespmem:$0x320];
	_ =	sdelay $0x4  }
0x3a: {  	[tilespmem:$0x1FC40] =	vst v61;
	v61 =	vld [tilespmem:$0x720];
	_ =	sdelay $0x4  }
0x3b: {  	[tilespmem:$0x1FC50] =	vst v61;
	v61 =	vld [tilespmem:$0xB20];
	_ =	sdelay $0x4  }
0x3c: {  	[tilespmem:$0x1FC90] =	vst v61;
	v61 =	vld [tilespmem:$0x330];
	_ =	sdelay $0x4  }
0x3d: {  	[tilespmem:$0x1FC70] =	vst v61;
	v61 =	vld [tilespmem:$0x730];
	_ =	sdelay $0x4  }
0x3e: {  	[tilespmem:$0x1FC80] =	vst v61;
	v61 =	vld [tilespmem:$0xB30];
	_ =	sdelay $0x3  }
0x3f: {  	v9 =	vld [tilespmem:$0x180]  }
0x40: {  	[tilespmem:$0x1FCC0] =	vst v61;
	v61 =	vld [tilespmem:$0x340]  }
0x41: {  	v5 =	vld [tilespmem:$0x580]  }
0x42: {  	v16 =	vld [tilespmem:$0x980]  }
0x43: {  	v6 =	vld [tilespmem:$0x190]  }
0x44: {  	v0 =	vld [tilespmem:$0x590]  }
0x45: {  	[tilespmem:$0x1FCA0] =	vst v61;
	v61 =	vld [tilespmem:$0x740]  }
0x46: {  	v13 =	vld [tilespmem:$0x990]  }
0x47: {  	v7 =	vld [tilespmem:$0x1A0]  }
0x48: {  	v1 =	vld [tilespmem:$0x5A0]  }
0x49: {  	v18 =	vld [tilespmem:$0x9A0]  }
0x4a: {  	[tilespmem:$0x1FCB0] =	vst v61;
	v61 =	vld [tilespmem:$0xB40]  }
0x4b: {  	v3 =	vld [tilespmem:$0x1B0]  }
0x4c: {  	v2 =	vld [tilespmem:$0x5B0]  }
0x4d: {  	v21 =	vld [tilespmem:$0x9B0]  }
0x4e: {  	v10 =	vld [tilespmem:$0x1C0]  }
0x4f: {  	[tilespmem:$0x1FCF0] =	vst v61;
	v61 =	vld [tilespmem:$0x350]  }
0x50: {  	v4 =	vld [tilespmem:$0x5C0]  }
0x51: {  	v24 =	vld [tilespmem:$0x9C0]  }
0x52: {  	v12 =	vld [tilespmem:$0x1D0]  }
0x53: {  	v8 =	vld [tilespmem:$0x5D0]  }
0x54: {  	[tilespmem:$0x1FCD0] =	vst v61;
	v61 =	vld [tilespmem:$0x750]  }
0x55: {  	v58 =	vld [tilespmem:$0x9D0]  }
0x56: {  	v14 =	vld [tilespmem:$0x1E0]  }
0x57: {  	v11 =	vld [tilespmem:$0x5E0]  }
0x58: {  	v35 =	vld [tilespmem:$0x9E0]  }
0x59: {  	[tilespmem:$0x1FCE0] =	vst v61;
	v61 =	vld [tilespmem:$0xB50]  }
0x5a: {  	v19 =	vld [tilespmem:$0x1F0]  }
0x5b: {  	v15 =	vld [tilespmem:$0x5F0]  }
0x5c: {  	v62 =	vld [tilespmem:$0x9F0]  }
0x5d: {  	v22 =	vld [tilespmem:$0x200]  }
0x5e: {  	[tilespmem:$0x1FD20] =	vst v61;
	v61 =	vld [tilespmem:$0x360]  }
0x5f: {  	v17 =	vld [tilespmem:$0x600]  }
0x60: {  	v34 =	vld [tilespmem:$0xA00]  }
0x61: {  	v25 =	vld [tilespmem:$0x210]  }
0x62: {  	v20 =	vld [tilespmem:$0x610]  }
0x63: {  	[tilespmem:$0x1FD00] =	vst v61;
	v61 =	vld [tilespmem:$0x760]  }
0x64: {  	v38 =	vld [tilespmem:$0xA10]  }
0x65: {  	v26 =	vld [tilespmem:$0x220]  }
0x66: {  	v23 =	vld [tilespmem:$0x620]  }
0x67: {  	v41 =	vld [tilespmem:$0xA20]  }
0x68: {  	[tilespmem:$0x1FD10] =	vst v61;
	v61 =	vld [tilespmem:$0xB60]  }
0x69: {  	v28 =	vld [tilespmem:$0x230]  }
0x6a: {  	v27 =	vld [tilespmem:$0x630]  }
0x6b: {  	v44 =	vld [tilespmem:$0xA30]  }
0x6c: {  	v30 =	vld [tilespmem:$0x240]  }
0x6d: {  	[tilespmem:$0x1FD50] =	vst v61;
	v61 =	vld [tilespmem:$0x370]  }
0x6e: {  	v29 =	vld [tilespmem:$0x640]  }
0x6f: {  	v45 =	vld [tilespmem:$0xA40]  }
0x70: {  	v33 =	vld [tilespmem:$0x250]  }
0x71: {  	v31 =	vld [tilespmem:$0x650]  }
0x72: {  	[tilespmem:$0x1FD30] =	vst v61;
	v61 =	vld [tilespmem:$0x770]  }
0x73: {  	v48 =	vld [tilespmem:$0xA50]  }
0x74: {  	v37 =	vld [tilespmem:$0x260]  }
0x75: {  	v32 =	vld [tilespmem:$0x660]  }
0x76: {  	v53 =	vld [tilespmem:$0xA60]  }
0x77: {  	[tilespmem:$0x1FD40] =	vst v61;
	v61 =	vld [tilespmem:$0xB70]  }
0x78: {  	v39 =	vld [tilespmem:$0x270]  }
0x79: {  	v36 =	vld [tilespmem:$0x670]  }
0x7a: {  	v54 =	vld [tilespmem:$0xA70]  }
0x7b: {  	v42 =	vld [tilespmem:$0x280]  }
0x7c: {  	[tilespmem:$0x1FD80] =	vst v61;
	v61 =	vld [tilespmem:$0x380]  }
0x7d: {  	v40 =	vld [tilespmem:$0x680]  }
0x7e: {  	v59 =	vld [tilespmem:$0xA80]  }
0x7f: {  	v46 =	vld [tilespmem:$0x290]  }
0x80: {  	v43 =	vld [tilespmem:$0x690]  }
0x81: {  	[tilespmem:$0x1FD60] =	vst v61;
	v61 =	vld [tilespmem:$0x780]  }
0x82: {  	v63 =	vld [tilespmem:$0xA90]  }
0x83: {  	v49 =	vld [tilespmem:$0x2A0]  }
0x84: {  	v47 =	vld [tilespmem:$0x6A0]  }
0x85: {  	v50 =	vld [tilespmem:$0xAA0]  }
0x86: {  	[tilespmem:$0x1FD70] =	vst v61;
	v61 =	vld [tilespmem:$0xB80]  }
0x87: {  	v51 =	vld [tilespmem:$0x2B0]  }
0x88: {  	v52 =	vld [tilespmem:$0xAB0]  }
0x89: {  	v55 =	vld [tilespmem:$0x2C0]  }
0x8a: {  	v56 =	vld [tilespmem:$0xAC0]  }
0x8b: {  	[tilespmem:$0x1FDB0] =	vst v61;
	v61 =	vld [tilespmem:$0x390]  }
0x8c: {  	v60 =	vld [tilespmem:$0x2D0]  }
0x8d: {  	v57 =	vld [tilespmem:$0xAD0]  }
0x8e: {  	[tilespmem:$0x1FB60] =	vst v50;
	v50 =	vld [tilespmem:$0x6B0]  }
0x8f: {  	[tilespmem:$0x1FB70] =	vst v52;
	v52 =	vld [tilespmem:$0x6C0]  }
0x90: {  	[tilespmem:$0x1FD90] =	vst v61;
	v61 =	vld [tilespmem:$0x790]  }
0x91: {  	[tilespmem:$0x1FB80] =	vst v56;
	v56 =	vld [tilespmem:$0x6D0]  }
0x92: {  	[tilespmem:$0x1FBA0] =	vst v57;
	v57 =	vld [tilespmem:$0x6E0]  }
0x93: {  	v5 =	vadd.f32 v5, v9;
	v9 =	vld [tilespmem:$0x440]  }
0x94: {  	v0 =	vadd.f32 v0, v6;
	v2 =	vadd.f32 v2, v3;
	v3 =	vld [tilespmem:$0x870]  }
0x95: {  	v1 =	vadd.f32 v1, v7;
	[tilespmem:$0x1FDA0] =	vst v61;
	v61 =	vld [tilespmem:$0xB90]  }
0x96: {  	v0 =	vadd.f32 v13, v0;
	v13 =	vld [tilespmem:$0xC40]  }
0x97: {  	v5 =	vadd.f32 v16, v5;
	v1 =	vadd.f32 v18, v1;
	v18 =	vld [tilespmem:$0x450]  }
0x98: {  	v16 =	vadd.f32 v4, v10;
	v10 =	vadd.f32 v8, v12;
	v12 =	vld [tilespmem:$0x850]  }
0x99: {  	v4 =	vld [tilespmem:$0x880];
	[tilespmem:$0xD80] =	vst v5  }
0x9a: {  	[tilespmem:$0x1FDE0] =	vst v61;
	v61 =	vld [tilespmem:$0x3A0]  }
0x9b: {  	[tilespmem:$0xD90] =	vst v0;
	v5 =	vld [tilespmem:$0x470]  }
0x9c: {  	[tilespmem:$0xDA0] =	vst v1;
	v0 =	vld [tilespmem:$0x480]  }
0x9d: {  	v1 =	vld [tilespmem:$0xC80];
	[tilespmem:$0x1FFA0] =	vst v9  }
0x9e: {  	v9 =	vld [tilespmem:$0x840];
	[tilespmem:$0x1FFE0] =	vst v13  }
0x9f: {  	[tilespmem:$0x1FDC0] =	vst v61;
	v61 =	vld [tilespmem:$0x7A0]  }
0xa0: {  	[tilespmem:$0x1FFC0] =	vst v18;
	v13 =	vadd.f32 v24, v16;
	v16 =	vadd.f32 v11, v14;
	v18 =	vld [tilespmem:$0xC50]  }
0xa1: {  	v24 =	vadd.f32 v15, v19;
	v15 =	vadd.f32 v29, v30;
	v29 =	vld [tilespmem:$0x1FB70]  }
0xa2: {  	v6 =	vadd.f32 v35, v16;
	v35 =	vld [tilespmem:$0x860]  }
0xa3: {  	v8 =	vadd.f32 v62, v24;
	v62 =	vld [tilespmem:$0xC60]  }
0xa4: {  	[tilespmem:$0x1FDD0] =	vst v61;
	v61 =	vld [tilespmem:$0xBA0]  }
0xa5: {  	[tilespmem:$0xDC0] =	vst v13;
	v13 =	vadd.f32 v27, v28;
	v27 =	vld [tilespmem:$0x1FB60]  }
0xa6: {  	v7 =	vadd.f32 v17, v22;
	v17 =	vadd.f32 v45, v15;
	v15 =	vld [tilespmem:$0xCA0]  }
0xa7: {  	v16 =	vadd.f32 v31, v33;
	v31 =	vld [tilespmem:$0x1FB80]  }
0xa8: {  	v33 =	vld [tilespmem:$0x1FBA0]  }
0xa9: {  	[tilespmem:$0x1FE10] =	vst v61;
	v61 =	vld [tilespmem:$0x3B0]  }
0xaa: {  	v11 =	vadd.f32 v23, v26;
	v0 =	vadd.f32 v4, v0;
	v4 =	vld [tilespmem:$0xD30]  }
0xab: {  	[tilespmem:$0x1FFB0] =	vst v9;
	v9 =	vadd.f32 v21, v2;
	v21 =	vadd.f32 v58, v10;
	v58 =	vld [tilespmem:$0x460]  }
0xac: {  	v2 =	vld [tilespmem:$0xC70]  }
0xad: {  	v14 =	vadd.f32 v41, v11;
	[tilespmem:$0xDE0] =	vst v6;
	v6 =	vadd.f32 v44, v13;
	v13 =	vld [tilespmem:$0x4A0]  }
0xae: {  	[tilespmem:$0x1FDF0] =	vst v61;
	v61 =	vld [tilespmem:$0x7B0]  }
0xaf: {  	[tilespmem:$0xE20] =	vst v14;
	v14 =	vld [tilespmem:$0x8A0]  }
0xb0: {  	v10 =	vadd.f32 v34, v7;
	v7 =	vadd.f32 v48, v16;
	v16 =	vld [tilespmem:$0x4B0]  }
0xb1: {  	v34 =	vld [tilespmem:$0x1FBB0]  }
0xb2: {  	[tilespmem:$0xE40] =	vst v17;
	v17 =	vld [tilespmem:$0x8B0]  }
0xb3: {  	[tilespmem:$0x1FE00] =	vst v61;
	v61 =	vld [tilespmem:$0xBB0]  }
0xb4: {  	v19 =	vadd.f32 v36, v39;
	[tilespmem:$0x1FFF0] =	vst v18;
	v18 =	vadd.f32 v32, v37;
	v32 =	vld [tilespmem:$0x1FB90]  }
0xb5: {  	v22 =	vadd.f32 v43, v46;
	[tilespmem:$0xDB0] =	vst v9;
	v37 =	vld [tilespmem:$0x1FBD0]  }
0xb6: {  	[tilespmem:$0xE00] =	vst v10;
	v10 =	vadd.f32 v54, v19;
	v19 =	vld [tilespmem:$0x4C0]  }
0xb7: {  	[tilespmem:$0xDD0] =	vst v21;
	v9 =	vadd.f32 v20, v25;
	v25 =	vadd.f32 v63, v22;
	v22 =	vld [tilespmem:$0x4D0]  }
0xb8: {  	[tilespmem:$0x1FE40] =	vst v61;
	v61 =	vld [tilespmem:$0x3C0]  }
0xb9: {  	[tilespmem:$0xE30] =	vst v6;
	v6 =	vld [tilespmem:$0x490]  }
0xba: {  	v21 =	vadd.f32 v40, v42;
	[tilespmem:$0xE50] =	vst v7;
	v7 =	vld [tilespmem:$0xC90]  }
0xbb: {  	v20 =	vadd.f32 v53, v18;
	v18 =	vld [tilespmem:$0xCB0]  }
0xbc: {  	[tilespmem:$0x1FFD0] =	vst v12;
	v24 =	vadd.f32 v47, v49;
	v23 =	vadd.f32 v59, v21;
	v21 =	vld [tilespmem:$0xCC0]  }
0xbd: {  	[tilespmem:$0x1FE20] =	vst v61;
	v61 =	vld [tilespmem:$0x7C0]  }
0xbe: {  	v26 =	vadd.f32 v50, v51;
	[tilespmem:$0xDF0] =	vst v8;
	v8 =	vadd.f32 v27, v24;
	v24 =	vld [tilespmem:$0xCD0]  }
0xbf: {  	v12 =	vadd.f32 v38, v9;
	[tilespmem:$0xE90] =	vst v25;
	v25 =	vld [tilespmem:$0x4E0]  }
0xc0: {  	[tilespmem:$0xE70] =	vst v10;
	v10 =	vadd.f32 v29, v26;
	v26 =	vld [tilespmem:$0x8E0]  }
0xc1: {  	[tilespmem:$0xE10] =	vst v12;
	v12 =	vld [tilespmem:$0x890]  }
0xc2: {  	[tilespmem:$0x1FE30] =	vst v61;
	v61 =	vld [tilespmem:$0xBC0]  }
0xc3: {  	v36 =	vld [tilespmem:$0x1FBC0]  }
0xc4: {  	[tilespmem:$0xE60] =	vst v20;
	v20 =	vld [tilespmem:$0x8C0]  }
0xc5: {  	[tilespmem:$0xE80] =	vst v23;
	v23 =	vld [tilespmem:$0x8D0]  }
0xc6: {  	v40 =	vld [tilespmem:$0x1FC00]  }
0xc7: {  	[tilespmem:$0x1FE70] =	vst v61;
	v61 =	vld [tilespmem:$0x3D0]  }
0xc8: {  	v38 =	vld [tilespmem:$0x1FBE0]  }
0xc9: {  	v39 =	vld [tilespmem:$0x1FBF0]  }
0xca: {  	v43 =	vld [tilespmem:$0x1FC30]  }
0xcb: {  	v41 =	vld [tilespmem:$0x1FC10]  }
0xcc: {  	[tilespmem:$0x1FE50] =	vst v61;
	v61 =	vld [tilespmem:$0x7D0]  }
0xcd: {  	v42 =	vld [tilespmem:$0x1FC20]  }
0xce: {  	v46 =	vld [tilespmem:$0x1FC60]  }
0xcf: {  	v44 =	vld [tilespmem:$0x1FC40]  }
0xd0: {  	v45 =	vld [tilespmem:$0x1FC50]  }
0xd1: {  	[tilespmem:$0x1FE60] =	vst v61;
	v61 =	vld [tilespmem:$0xBD0]  }
0xd2: {  	v49 =	vld [tilespmem:$0x1FC90]  }
0xd3: {  	v47 =	vld [tilespmem:$0x1FC70]  }
0xd4: {  	v48 =	vld [tilespmem:$0x1FC80]  }
0xd5: {  	v28 =	vadd.f32 v52, v55;
	v52 =	vld [tilespmem:$0x1FCC0]  }
0xd6: {  	[tilespmem:$0x1FEA0] =	vst v61;
	v61 =	vld [tilespmem:$0x3E0]  }
0xd7: {  	v50 =	vld [tilespmem:$0x1FCA0]  }
0xd8: {  	v51 =	vld [tilespmem:$0x1FCB0]  }
0xd9: {  	v55 =	vld [tilespmem:$0x1FCF0]  }
0xda: {  	v53 =	vld [tilespmem:$0x1FCD0]  }
0xdb: {  	v30 =	vadd.f32 v56, v60;
	[tilespmem:$0x1FE80] =	vst v61;
	v61 =	vld [tilespmem:$0x7E0]  }
0xdc: {  	[tilespmem:$0xEA0] =	vst v8;
	v8 =	vadd.f32 v31, v28;
	v54 =	vld [tilespmem:$0x1FCE0]  }
0xdd: {  	[tilespmem:$0xEB0] =	vst v10;
	v10 =	vadd.f32 v33, v30;
	v9 =	vadd.f32 v57, v32;
	v59 =	vld [tilespmem:$0x1FD20]  }
0xde: {  	[tilespmem:$0xEC0] =	vst v8;
	v11 =	vadd.f32 v36, v34;
	v56 =	vld [tilespmem:$0x1FD00]  }
0xdf: {  	[tilespmem:$0xED0] =	vst v10;
	v8 =	vadd.f32 v37, v9;
	v9 =	vadd.f32 v39, v38;
	v57 =	vld [tilespmem:$0x1FD10]  }
0xe0: {  	v10 =	vadd.f32 v40, v11;
	v11 =	vadd.f32 v42, v41;
	[tilespmem:$0x1FE90] =	vst v61;
	v61 =	vld [tilespmem:$0xBE0]  }
0xe1: {  	[tilespmem:$0xEE0] =	vst v8;
	v8 =	vadd.f32 v43, v9;
	v60 =	vld [tilespmem:$0x1FD30]  }
0xe2: {  	[tilespmem:$0xEF0] =	vst v10;
	v10 =	vadd.f32 v46, v11;
	v9 =	vadd.f32 v45, v44;
	v63 =	vld [tilespmem:$0x1FD40]  }
0xe3: {  	[tilespmem:$0xF00] =	vst v8;
	v11 =	vadd.f32 v48, v47;
	v27 =	vld [tilespmem:$0x1FD50]  }
0xe4: {  	[tilespmem:$0xF10] =	vst v10;
	v8 =	vadd.f32 v49, v9;
	v9 =	vadd.f32 v51, v50;
	v30 =	vld [tilespmem:$0x1FD80]  }
0xe5: {  	v10 =	vadd.f32 v52, v11;
	v11 =	vadd.f32 v54, v53;
	[tilespmem:$0x1FED0] =	vst v61;
	v61 =	vld [tilespmem:$0x3F0]  }
0xe6: {  	[tilespmem:$0xF20] =	vst v8;
	v8 =	vadd.f32 v55, v9;
	v9 =	vadd.f32 v57, v56;
	v28 =	vld [tilespmem:$0x1FD60]  }
0xe7: {  	[tilespmem:$0xF30] =	vst v10;
	v10 =	vadd.f32 v59, v11;
	v11 =	vadd.f32 v63, v60;
	v29 =	vld [tilespmem:$0x1FD70]  }
0xe8: {  	[tilespmem:$0xF40] =	vst v8;
	v8 =	vadd.f32 v27, v9;
	v27 =	vld [tilespmem:$0xCE0]  }
0xe9: {  	[tilespmem:$0xF50] =	vst v10;
	v10 =	vadd.f32 v30, v11;
	v30 =	vld [tilespmem:$0xCF0]  }
0xea: {  	[tilespmem:$0x1FEB0] =	vst v61;
	v61 =	vld [tilespmem:$0x7F0]  }
0xeb: {  	v33 =	vld [tilespmem:$0x1FDB0]  }
0xec: {  	v9 =	vadd.f32 v29, v28;
	v28 =	vld [tilespmem:$0x4F0]  }
0xed: {  	v29 =	vld [tilespmem:$0x8F0]  }
0xee: {  	v31 =	vld [tilespmem:$0x1FD90]  }
0xef: {  	[tilespmem:$0x1FEC0] =	vst v61;
	v61 =	vld [tilespmem:$0xBF0]  }
0xf0: {  	v32 =	vld [tilespmem:$0x1FDA0]  }
0xf1: {  	[tilespmem:$0xF60] =	vst v8;
	v8 =	vadd.f32 v33, v9;
	v33 =	vld [tilespmem:$0xD00]  }
0xf2: {  	v28 =	vadd.f32 v29, v28;
	v29 =	vld [tilespmem:$0x560]  }
0xf3: {  	v37 =	vld [tilespmem:$0x1FDE0]  }
0xf4: {  	[tilespmem:$0x1FF00] =	vst v61;
	v61 =	vld [tilespmem:$0x400]  }
0xf5: {  	v11 =	vadd.f32 v32, v31;
	v31 =	vld [tilespmem:$0x500]  }
0xf6: {  	v32 =	vld [tilespmem:$0x900]  }
0xf7: {  	v34 =	vld [tilespmem:$0x1FDC0]  }
0xf8: {  	[tilespmem:$0xF70] =	vst v10;
	v10 =	vadd.f32 v37, v11;
	v37 =	vld [tilespmem:$0xD10]  }
0xf9: {  	[tilespmem:$0x1FEE0] =	vst v61;
	v61 =	vld [tilespmem:$0x800]  }
0xfa: {  	v36 =	vld [tilespmem:$0x1FDD0]  }
0xfb: {  	v40 =	vld [tilespmem:$0x1FE10]  }
0xfc: {  	v38 =	vld [tilespmem:$0x1FDF0]  }
0xfd: {  	v39 =	vld [tilespmem:$0x1FE00]  }
0xfe: {  	[tilespmem:$0x1FEF0] =	vst v61;
	v61 =	vld [tilespmem:$0xC00]  }
0xff: {  	v9 =	vadd.f32 v36, v34;
	v34 =	vld [tilespmem:$0x510]  }
0x100: {  	v36 =	vld [tilespmem:$0x910]  }
0x101: {  	v43 =	vld [tilespmem:$0x1FE40]  }
0x102: {  	v11 =	vadd.f32 v39, v38;
	v38 =	vld [tilespmem:$0x520]  }
0x103: {  	[tilespmem:$0x1FF30] =	vst v61;
	v61 =	vld [tilespmem:$0x410]  }
0x104: {  	v39 =	vld [tilespmem:$0x920]  }
0x105: {  	v41 =	vld [tilespmem:$0x1FE20]  }
0x106: {  	v44 =	vld [tilespmem:$0x1FE50]  }
0x107: {  	v45 =	vld [tilespmem:$0x1FE60]  }
0x108: {  	[tilespmem:$0x1FF10] =	vst v61;
	v61 =	vld [tilespmem:$0x810]  }
0x109: {  	v42 =	vld [tilespmem:$0x1FE30]  }
0x10a: {  	v46 =	vld [tilespmem:$0x1FE70]  }
0x10b: {  	v49 =	vld [tilespmem:$0x1FEA0]  }
0x10c: {  	[tilespmem:$0xF90] =	vst v10;
	v10 =	vadd.f32 v43, v11;
	v11 =	vadd.f32 v45, v44;
	v44 =	vld [tilespmem:$0x1FFA0]  }
0x10d: {  	[tilespmem:$0x1FF20] =	vst v61;
	v61 =	vld [tilespmem:$0xC10]  }
0x10e: {  	v45 =	vld [tilespmem:$0x1FFB0]  }
0x10f: {  	v47 =	vld [tilespmem:$0x1FE80]  }
0x110: {  	[tilespmem:$0xFB0] =	vst v10;
	v10 =	vadd.f32 v49, v11;
	v49 =	vld [tilespmem:$0x1FFE0]  }
0x111: {  	v48 =	vld [tilespmem:$0x1FE90]  }
0x112: {  	[tilespmem:$0x1FF60] =	vst v61;
	v61 =	vld [tilespmem:$0x420]  }
0x113: {  	v52 =	vld [tilespmem:$0x1FED0]  }
0x114: {  	v50 =	vld [tilespmem:$0x1FEB0]  }
0x115: {  	v51 =	vld [tilespmem:$0x1FEC0]  }
0x116: {  	v55 =	vld [tilespmem:$0x1FF00]  }
0x117: {  	[tilespmem:$0x1FF40] =	vst v61;
	v61 =	vld [tilespmem:$0x820]  }
0x118: {  	[tilespmem:$0xF80] =	vst v8;
	v8 =	vadd.f32 v40, v9;
	v9 =	vadd.f32 v42, v41;
	v53 =	vld [tilespmem:$0x1FEE0]  }
0x119: {  	v54 =	vld [tilespmem:$0x1FEF0]  }
0x11a: {  	[tilespmem:$0xFA0] =	vst v8;
	v8 =	vadd.f32 v46, v9;
	v9 =	vadd.f32 v48, v47;
	v47 =	vld [tilespmem:$0x1FFC0]  }
0x11b: {  	v48 =	vld [tilespmem:$0x1FFD0];
	v11 =	vadd.f32 v51, v50  }
0x11c: {  	[tilespmem:$0x1FF50] =	vst v61;
	v61 =	vld [tilespmem:$0xC20]  }
0x11d: {  	[tilespmem:$0xFD0] =	vst v10;
	v50 =	vadd.f32 v35, v58;
	v10 =	vadd.f32 v55, v11;
	v55 =	vld [tilespmem:$0x540]  }
0x11e: {  	[tilespmem:$0xFC0] =	vst v8;
	v8 =	vadd.f32 v52, v9;
	v9 =	vadd.f32 v54, v53;
	v59 =	vld [tilespmem:$0x1FF30]  }
0x11f: {  	v53 =	vadd.f32 v62, v50;
	v62 =	vadd.f32 v20, v19;
	v20 =	vld [tilespmem:$0x950]  }
0x120: {  	v3 =	vadd.f32 v3, v5;
	v56 =	vld [tilespmem:$0x1FF10]  }
0x121: {  	v0 =	vadd.f32 v1, v0;
	[tilespmem:$0x1FF90] =	vst v61;
	v61 =	vld [tilespmem:$0x430]  }
0x122: {  	v2 =	vadd.f32 v2, v3;
	v57 =	vld [tilespmem:$0x1FF20]  }
0x123: {  	[tilespmem:$0x1080] =	vst v0;
	v60 =	vld [tilespmem:$0x1FF40]  }
0x124: {  	[tilespmem:$0x1070] =	vst v2;
	v63 =	vld [tilespmem:$0x1FF50]  }
0x125: {  	[tilespmem:$0xFE0] =	vst v8;
	v54 =	vadd.f32 v12, v6;
	v40 =	vld [tilespmem:$0x1FF60]  }
0x126: {  	v19 =	vadd.f32 v23, v22;
	[tilespmem:$0x1FF70] =	vst v61;
	v61 =	vld [tilespmem:$0x830]  }
0x127: {  	[tilespmem:$0xFF0] =	vst v10;
	v58 =	vadd.f32 v7, v54;
	v11 =	vadd.f32 v57, v56;
	v57 =	vld [tilespmem:$0x940]  }
0x128: {  	v23 =	vadd.f32 v26, v25;
	[tilespmem:$0x1060] =	vst v53;
	v22 =	vadd.f32 v21, v62;
	v43 =	vld [tilespmem:$0x1FF90]  }
0x129: {  	[tilespmem:$0x1090] =	vst v58;
	v8 =	vadd.f32 v59, v9;
	v9 =	vadd.f32 v63, v60;
	v60 =	vld [tilespmem:$0xD40]  }
0x12a: {  	v26 =	vadd.f32 v24, v19;
	[tilespmem:$0x10C0] =	vst v22;
	v59 =	vadd.f32 v17, v16;
	v63 =	vld [tilespmem:$0x550]  }
0x12b: {  	v41 =	vld [tilespmem:$0x1FF70];
	[tilespmem:$0x1FF80] =	vst v61  }
0x12c: {  	[tilespmem:$0x10D0] =	vst v26;
	v18 =	vadd.f32 v18, v59;
	v42 =	vld [tilespmem:$0x1FF80]  }
0x12d: {  	v25 =	vld [tilespmem:$0xD50];
	[tilespmem:$0x1000] =	vst v8;
	v10 =	vadd.f32 v40, v11;
	v54 =	vadd.f32 v57, v55  }
0x12e: {  	[tilespmem:$0x10B0] =	vst v18;
	v8 =	vadd.f32 v43, v9;
	v9 =	vadd.f32 v45, v44;
	v61 =	vld [tilespmem:$0xC30]  }
0x12f: {  	v52 =	vld [tilespmem:$0x930];
	[tilespmem:$0x1010] =	vst v10;
	v44 =	vadd.f32 v30, v28;
	v45 =	vadd.f32 v36, v34  }
0x130: {  	v35 =	vld [tilespmem:$0x530];
	v57 =	vadd.f32 v20, v63;
	v58 =	vadd.f32 v60, v54;
	[tilespmem:$0x1020] =	vst v8  }
0x131: {  	v51 =	vld [tilespmem:$0x1FFF0];
	v8 =	vadd.f32 v49, v9;
	[tilespmem:$0x10F0] =	vst v44;
	v11 =	vadd.f32 v42, v41  }
0x132: {  	v56 =	vadd.f32 v14, v13;
	v40 =	vld [tilespmem:$0xD20];
	v50 =	vadd.f32 v37, v45;
	[tilespmem:$0x1140] =	vst v58  }
0x133: {  	v43 =	vld [tilespmem:$0x960];
	v60 =	vadd.f32 v25, v57;
	[tilespmem:$0x1040] =	vst v8;
	v46 =	vadd.f32 v61, v11  }
0x134: {  	v49 =	vld [tilespmem:$0x970];
	[tilespmem:$0x1110] =	vst v50;
	v41 =	vadd.f32 v27, v23;
	v11 =	vadd.f32 v48, v47  }
0x135: {  	v42 =	vadd.f32 v32, v31;
	v61 =	vadd.f32 v15, v56;
	[tilespmem:$0x1030] =	vst v46;
	v46 =	vld [tilespmem:$0x570]  }
0x136: {  	[tilespmem:$0x1150] =	vst v60;
	v10 =	vadd.f32 v51, v11;
	v51 =	vadd.f32 v52, v35;
	v52 =	vld [tilespmem:$0xD60]  }
0x137: {  	v55 =	vld [tilespmem:$0xD70];
	[tilespmem:$0x10E0] =	vst v41;
	v47 =	vadd.f32 v33, v42;
	v48 =	vadd.f32 v39, v38  }
0x138: {  	[tilespmem:$0x10A0] =	vst v61  }
0x139: {  	v59 =	vadd.f32 v43, v29;
	[tilespmem:$0x1100] =	vst v47;
	v53 =	vadd.f32 v40, v48  }
0x13a: {  	[tilespmem:$0x1050] =	vst v10;
	v56 =	vadd.f32 v4, v51;
	v61 =	vadd.f32 v49, v46  }
0x13b: {  	[tilespmem:$0x1120] =	vst v53;
	v62 =	vadd.f32 v52, v59  }
0x13c: {  	[tilespmem:$0x1130] =	vst v56;
	v63 =	vadd.f32 v55, v61  }
0x13d: {  	p0 =	sne.s32 s10, $0x1;
	[tilespmem:$0x1160] =	vst v62  }
.Ltmp1:
0x13e: {  	[tilespmem:$0x1170] =	vst v63;
	(pc) =	sbr.rel @p0 .LBB2_2-.Ltmp1, $4  }
0x13f: {  	[hbm4b:s6+s5] =	stream.linear.scatter [tilespmem:s18], [sflag:$0x2], $0x400, $0x38;
	[tilespmem:$0x1180] =	vst v63  }
0x140: {  	_ =	swait.ge [sflag:s19], $0x400  }
0x141: {  	[sflag:s19] =	ssyncset.done $0x0  }
0x142: {  	s10 =	sadd.s32 $0xFFFFFFFF, s10;
	[sflag:s19] =	ssyncadd.s32 $0xFFFFFC00  }
.LBB2_3:
0x143: {  	_ =	sfence.sel $0x180000  }
0x144: {  	[bflag:$0x0] =	sbarrier.arrive $0xFFFF  }
0x145: {  	p0 =	sne.s32 s3, $0x0;
	_ =	strace $0x90000047  }
0x146: {  	s0 =	sadd.s32 @!p0 $0x100000, s4;
	[bflag:$0x2] =	sbarrier.arrive $0xFFFF  }
0x147: {  	[sflag:s0] =	ssyncadd.tile.s32 @!p0 $0x1;
	_ =	shalt  }
.Lfunc_end2:
_tile_overlayer_lowered:
.L_overlay_start_2:
0x148: {  	(tag) =	ssettag $0x2  }
0x149: {  	s0 =	rddreg [dreg:$0x0];
	s2 =	stileid.u32  }
0x14a: {  	s1 =	rddreg [dreg:$0x1];
	p0 =	sne.s32 s2, $0x0  }
0x14b: {  	s3 =	rddreg [dreg:$0x2];
	[bflag:$0x3] =	sbarrier.arrive $0xFFFF;
	s2 =	simm.s32 @!p0 $0x1C02  }
0x14c: {  	[timem:s3], [sflag:s2] =	dma.local @!p0 [hbm:s0], s1  }
0x14d: {  	s0 =	simm.s32 @!p0 $0x2  }
0x14e: {  	_ =	swait.ge @!p0 [sflag:s0], s1  }
0x14f: {  	s1 =	ssub.s32 @!p0 $0x0, s1;
	[sflag:s0] =	ssyncset.done @!p0 $0x0  }
0x150: {  	[sflag:s0] =	ssyncadd.s32 @!p0 s1  }
0x151: {  	[bflag:$0x3] =	sbarrier.arrive $0xFFFF  }
0x152: {  	_ =	shalt  }

</sc_bundles>
